<compile_context>
chip_gen: v7x
topology: tpu7x:2x2x1
jax: 0.10.2.dev20260603
libtpu: 0.0.44.dev20260713+nightly
codegen_flags: <defaults>
</compile_context>

<pallas_src>
import functools

import numpy as np
import jax
import jax.numpy as jnp
from jax import lax
from jax.experimental import pallas as pl
from jax.experimental.pallas import tpu as pltpu
from jax.experimental.pallas import tpu_sc as plsc

_LANES = 16


@functools.cache
def _build_sc_kernel(B, D, V):
    info = plsc.get_sparse_core_info()
    NC, NS = info.num_cores, info.num_subcores
    NW = NC * NS
    total = B * D
    assert total % NW == 0
    per_w = total // NW
    period = int(np.lcm(_LANES, D))
    phases = period // _LANES
    assert per_w % period == 0
    groups = per_w // period
    assert per_w % D == 0
    packed = period + D * V

    mesh = plsc.VectorSubcoreMesh(core_axis_name="c", subcore_axis_name="s")

    @functools.partial(
        pl.kernel,
        mesh=mesh,
        compiler_params=pltpu.CompilerParams(needs_layout_passes=False),
        out_type=jax.ShapeDtypeStruct((total,), jnp.float32),
        scratch_types=[
            pltpu.VMEM((packed,), jnp.int32),
            pltpu.VMEM((per_w,), jnp.int32),
            pltpu.VMEM((per_w,), jnp.float32),
            pltpu.SemaphoreType.DMA,
        ],
    )
    def _k(x_hbm, pk_hbm, out_hbm, pk_v, x_v, o_v, sem):
        wid = lax.axis_index("s") * NC + lax.axis_index("c")
        base = wid * per_w
        c1 = pltpu.async_copy(pk_hbm, pk_v, sem)
        c2 = pltpu.async_copy(x_hbm.at[pl.ds(base, per_w)], x_v, sem)
        c1.wait()
        c2.wait()

        offs = [pk_v[pl.ds(ph * _LANES, _LANES)] for ph in range(phases)]

        @plsc.parallel_loop(0, groups, unroll=4)
        def _loop(g):
            gb = g * period
            for ph in range(phases):
                s0 = gb + ph * _LANES
                idx = x_v[pl.ds(s0, _LANES)] + offs[ph]
                vals = plsc.load_gather(pk_v, [idx])
                o_v[pl.ds(s0, _LANES)] = plsc.bitcast(vals, jnp.float32)

        pltpu.sync_copy(o_v, out_hbm.at[pl.ds(base, per_w)])

    return _k, period


def kernel(X_cat, prob_vecs):
    B, D = X_cat.shape
    _, V = prob_vecs.shape
    k, period = _build_sc_kernel(B, D, V)
    offs = jnp.asarray(
        (np.arange(period, dtype=np.int32) % D) * V + period, dtype=jnp.int32
    )
    tab_i32 = lax.bitcast_convert_type(
        prob_vecs.reshape(-1).astype(jnp.float32), jnp.int32
    )
    packed = jnp.concatenate([offs, tab_i32])
    x_flat = X_cat.reshape(-1).astype(jnp.int32)
    out = k(x_flat, packed)
    return out.reshape(B, D)

# --- scband reference (transcript-rebuilt; emitter-appended) ---
"""Pipeline reference for scband-px-categorical-15298673508889 (READ-ONLY COPY).

The authoritative reference and input builder live on the scoring server;
editing this copy changes nothing except your own understanding.
"""

import jax, jax.numpy as jnp
import numpy as np

D = 26
V = 64
BATCH = 16384


def _build_prob_vecs():
    # Mirrors px_categorical.__init__: per-dim empirical category probabilities
    X_train = np.tile(np.arange(V)[:, None], (1, D))  # shape [V, D], each column has V unique values
    denom = X_train.shape[0]
    pvs = []
    for i in range(D):
        _, counts = np.unique(X_train[:, i], return_counts=True)
        pvs.append(counts.astype(np.float32) / float(denom))
    return jnp.asarray(np.stack(pvs, axis=0))  # [D, V]


def setup_inputs(seed: int = 0) -> dict:
    key = jax.random.key(seed)
    X_cat = jax.random.randint(key, (BATCH, D), 0, V)
    prob_vecs = _build_prob_vecs()
    return {"X_cat": X_cat, "prob_vecs": prob_vecs}


def reference(X_cat, prob_vecs):
    d = prob_vecs.shape[0]
    probs = []
    for i in range(d):
        idx = X_cat[:, i]
        ref = prob_vecs[i]
        probs.append(jnp.take(ref, idx, axis=0))
    return jnp.stack(probs, axis=1)

if __name__ == "__main__":
    import jax
    _d = setup_inputs()
    print(jax.jit(kernel)(*tuple(_d.values())))

</pallas_src>

<mosaic_0001>
#map = affine_map<(d0, d1) -> (0)>
module attributes {stable_mosaic.version = 14 : i64} {
  func.func @_k(%arg0: i32, %arg1: i32, %arg2: memref<425984xi32, #tpu.memory_space<hbm>>, %arg3: memref<1872xi32, #tpu.memory_space<hbm>>, %arg4: memref<425984xf32, #tpu.memory_space<hbm>>, %arg5: memref<1872xi32, #tpu.memory_space<vmem>>, %arg6: memref<13312xi32, #tpu.memory_space<vmem>>, %arg7: memref<13312xf32, #tpu.memory_space<vmem>>, %arg8: memref<!tpu.dma_semaphore, #tpu.memory_space<semaphore_mem>>) attributes {dimension_semantics = [#tpu.dimension_semantics<core_parallel>, #tpu.dimension_semantics<subcore_parallel>], iteration_bounds = array<i64: 2, 16>, scalar_prefetch = 0 : i64, scratch_operands = 4 : i64, tpu.core_type = #tpu.core_type<sc_vector_subcore>, window_params = [{transform_indices = #map}, {transform_indices = #map}, {transform_indices = #map}]} {
    %mul3A = arith.constant 2 : i32
    %mul3A_0 = arith.muli %arg1, %mul3A : i32
    %add3A = arith.addi %mul3A_0, %arg0 : i32
    %mul3A_1 = arith.constant 13312 : i32
    %mul3A_2 = arith.muli %add3A, %mul3A_1 : i32
    tpu.enqueue_dma source(%arg3 : memref<1872xi32, #tpu.memory_space<hbm>>) target(%arg5 : memref<1872xi32, #tpu.memory_space<vmem>>) target_semaphore(%arg8 : memref<!tpu.dma_semaphore, #tpu.memory_space<semaphore_mem>>)
    %dma_start3A = tpu.memref_slice %arg2[%mul3A_2] : memref<425984xi32, #tpu.memory_space<hbm>> -> memref<13312xi32, #tpu.memory_space<hbm>>
    %dma_start3A_3 = tpu.memref_slice %arg2[%mul3A_2] : memref<425984xi32, #tpu.memory_space<hbm>> -> memref<13312xi32, #tpu.memory_space<hbm>>
    tpu.enqueue_dma source(%dma_start3A_3 : memref<13312xi32, #tpu.memory_space<hbm>>) target(%arg6 : memref<13312xi32, #tpu.memory_space<vmem>>) target_semaphore(%arg8 : memref<!tpu.dma_semaphore, #tpu.memory_space<semaphore_mem>>)
    tpu.wait_dma2 semaphore(%arg8 : memref<!tpu.dma_semaphore, #tpu.memory_space<semaphore_mem>>) src(%arg3 : memref<1872xi32, #tpu.memory_space<hbm>>) dst(%arg5 : memref<1872xi32, #tpu.memory_space<vmem>>)
    %dma_wait3A = tpu.memref_slice %arg2[%mul3A_2] : memref<425984xi32, #tpu.memory_space<hbm>> -> memref<13312xi32, #tpu.memory_space<hbm>>
    %dma_wait3A_4 = tpu.memref_slice %arg2[%mul3A_2] : memref<425984xi32, #tpu.memory_space<hbm>> -> memref<13312xi32, #tpu.memory_space<hbm>>
    tpu.wait_dma2 semaphore(%arg8 : memref<!tpu.dma_semaphore, #tpu.memory_space<semaphore_mem>>) src(%dma_wait3A_4 : memref<13312xi32, #tpu.memory_space<hbm>>) dst(%arg6 : memref<13312xi32, #tpu.memory_space<vmem>>)
    %get3A = arith.constant 0 : index
    %get3A_5 = tpu.vector_load %arg5[%get3A] {strides = array<i32>} : memref<1872xi32, #tpu.memory_space<vmem>>, vector<16xi32>,
    %get3A_6 = arith.constant 16 : index
    %get3A_7 = tpu.vector_load %arg5[%get3A_6] {strides = array<i32>} : memref<1872xi32, #tpu.memory_space<vmem>>, vector<16xi32>,
    %get3A_8 = arith.constant 32 : index
    %get3A_9 = tpu.vector_load %arg5[%get3A_8] {strides = array<i32>} : memref<1872xi32, #tpu.memory_space<vmem>>, vector<16xi32>,
    %get3A_10 = arith.constant 48 : index
    %get3A_11 = tpu.vector_load %arg5[%get3A_10] {strides = array<i32>} : memref<1872xi32, #tpu.memory_space<vmem>>, vector<16xi32>,
    %get3A_12 = arith.constant 64 : index
    %get3A_13 = tpu.vector_load %arg5[%get3A_12] {strides = array<i32>} : memref<1872xi32, #tpu.memory_space<vmem>>, vector<16xi32>,
    %get3A_14 = arith.constant 80 : index
    %get3A_15 = tpu.vector_load %arg5[%get3A_14] {strides = array<i32>} : memref<1872xi32, #tpu.memory_space<vmem>>, vector<16xi32>,
    %get3A_16 = arith.constant 96 : index
    %get3A_17 = tpu.vector_load %arg5[%get3A_16] {strides = array<i32>} : memref<1872xi32, #tpu.memory_space<vmem>>, vector<16xi32>,
    %get3A_18 = arith.constant 112 : index
    %get3A_19 = tpu.vector_load %arg5[%get3A_18] {strides = array<i32>} : memref<1872xi32, #tpu.memory_space<vmem>>, vector<16xi32>,
    %get3A_20 = arith.constant 128 : index
    %get3A_21 = tpu.vector_load %arg5[%get3A_20] {strides = array<i32>} : memref<1872xi32, #tpu.memory_space<vmem>>, vector<16xi32>,
    %get3A_22 = arith.constant 144 : index
    %get3A_23 = tpu.vector_load %arg5[%get3A_22] {strides = array<i32>} : memref<1872xi32, #tpu.memory_space<vmem>>, vector<16xi32>,
    %get3A_24 = arith.constant 160 : index
    %get3A_25 = tpu.vector_load %arg5[%get3A_24] {strides = array<i32>} : memref<1872xi32, #tpu.memory_space<vmem>>, vector<16xi32>,
    %get3A_26 = arith.constant 176 : index
    %get3A_27 = tpu.vector_load %arg5[%get3A_26] {strides = array<i32>} : memref<1872xi32, #tpu.memory_space<vmem>>, vector<16xi32>,
    %get3A_28 = arith.constant 192 : index
    %get3A_29 = tpu.vector_load %arg5[%get3A_28] {strides = array<i32>} : memref<1872xi32, #tpu.memory_space<vmem>>, vector<16xi32>,
    %parallel_loop3A = arith.constant 0 : i32
    %parallel_loop3A_30 = arith.constant 64 : i32
    %parallel_loop3A_31 = arith.constant 1 : i32
    scf.for %parallel_loop3A_32 = %parallel_loop3A to %parallel_loop3A_30 step %parallel_loop3A_31  : i32 {
      %parallel_loop3A_33 = arith.constant 208 : i32
      %parallel_loop3A_34 = arith.muli %parallel_loop3A_32, %parallel_loop3A_33 : i32
      %parallel_loop3A_35 = arith.constant 0 : i32
      %parallel_loop3A_36 = arith.addi %parallel_loop3A_34, %parallel_loop3A_35 : i32
      %parallel_loop3A_37 = arith.index_cast %parallel_loop3A_36 : i32 to index
      %parallel_loop3A_38 = tpu.vector_load %arg6[%parallel_loop3A_37] {strides = array<i32>} : memref<13312xi32, #tpu.memory_space<vmem>>, vector<16xi32>,
      %parallel_loop3A_39 = arith.addi %parallel_loop3A_38, %get3A_5 : vector<16xi32>
      %parallel_loop3A_40 = tpu.vector_load_idx %arg5[%parallel_loop3A_39] : memref<1872xi32, #tpu.memory_space<vmem>>[vector<16xi32>], vector<16xi32>,
      %parallel_loop3A_41 = vector.bitcast %parallel_loop3A_40 : vector<16xi32> to vector<16xf32>
      %parallel_loop3A_42 = arith.index_cast %parallel_loop3A_36 : i32 to index
      %parallel_loop3A_43 = tpu.vector_load %arg7[%parallel_loop3A_42] {strides = array<i32>} : memref<13312xf32, #tpu.memory_space<vmem>>, vector<16xf32>,
      tpu.vector_store %arg7[%parallel_loop3A_42], %parallel_loop3A_41 {strides = array<i32>} : memref<13312xf32, #tpu.memory_space<vmem>>, vector<16xf32>,
      %parallel_loop3A_44 = arith.constant 16 : i32
      %parallel_loop3A_45 = arith.addi %parallel_loop3A_34, %parallel_loop3A_44 : i32
      %parallel_loop3A_46 = arith.index_cast %parallel_loop3A_45 : i32 to index
      %parallel_loop3A_47 = tpu.vector_load %arg6[%parallel_loop3A_46] {strides = array<i32>} : memref<13312xi32, #tpu.memory_space<vmem>>, vector<16xi32>,
      %parallel_loop3A_48 = arith.addi %parallel_loop3A_47, %get3A_7 : vector<16xi32>
      %parallel_loop3A_49 = tpu.vector_load_idx %arg5[%parallel_loop3A_48] : memref<1872xi32, #tpu.memory_space<vmem>>[vector<16xi32>], vector<16xi32>,
      %parallel_loop3A_50 = vector.bitcast %parallel_loop3A_49 : vector<16xi32> to vector<16xf32>
      %parallel_loop3A_51 = arith.index_cast %parallel_loop3A_45 : i32 to index
      %parallel_loop3A_52 = tpu.vector_load %arg7[%parallel_loop3A_51] {strides = array<i32>} : memref<13312xf32, #tpu.memory_space<vmem>>, vector<16xf32>,
      tpu.vector_store %arg7[%parallel_loop3A_51], %parallel_loop3A_50 {strides = array<i32>} : memref<13312xf32, #tpu.memory_space<vmem>>, vector<16xf32>,
      %parallel_loop3A_53 = arith.constant 32 : i32
      %parallel_loop3A_54 = arith.addi %parallel_loop3A_34, %parallel_loop3A_53 : i32
      %parallel_loop3A_55 = arith.index_cast %parallel_loop3A_54 : i32 to index
      %parallel_loop3A_56 = tpu.vector_load %arg6[%parallel_loop3A_55] {strides = array<i32>} : memref<13312xi32, #tpu.memory_space<vmem>>, vector<16xi32>,
      %parallel_loop3A_57 = arith.addi %parallel_loop3A_56, %get3A_9 : vector<16xi32>
      %parallel_loop3A_58 = tpu.vector_load_idx %arg5[%parallel_loop3A_57] : memref<1872xi32, #tpu.memory_space<vmem>>[vector<16xi32>], vector<16xi32>,
      %parallel_loop3A_59 = vector.bitcast %parallel_loop3A_58 : vector<16xi32> to vector<16xf32>
      %parallel_loop3A_60 = arith.index_cast %parallel_loop3A_54 : i32 to index
      %parallel_loop3A_61 = tpu.vector_load %arg7[%parallel_loop3A_60] {strides = array<i32>} : memref<13312xf32, #tpu.memory_space<vmem>>, vector<16xf32>,
      tpu.vector_store %arg7[%parallel_loop3A_60], %parallel_loop3A_59 {strides = array<i32>} : memref<13312xf32, #tpu.memory_space<vmem>>, vector<16xf32>,
      %parallel_loop3A_62 = arith.constant 48 : i32
      %parallel_loop3A_63 = arith.addi %parallel_loop3A_34, %parallel_loop3A_62 : i32
      %parallel_loop3A_64 = arith.index_cast %parallel_loop3A_63 : i32 to index
      %parallel_loop3A_65 = tpu.vector_load %arg6[%parallel_loop3A_64] {strides = array<i32>} : memref<13312xi32, #tpu.memory_space<vmem>>, vector<16xi32>,
      %parallel_loop3A_66 = arith.addi %parallel_loop3A_65, %get3A_11 : vector<16xi32>
      %parallel_loop3A_67 = tpu.vector_load_idx %arg5[%parallel_loop3A_66] : memref<1872xi32, #tpu.memory_space<vmem>>[vector<16xi32>], vector<16xi32>,
      %parallel_loop3A_68 = vector.bitcast %parallel_loop3A_67 : vector<16xi32> to vector<16xf32>
      %parallel_loop3A_69 = arith.index_cast %parallel_loop3A_63 : i32 to index
      %parallel_loop3A_70 = tpu.vector_load %arg7[%parallel_loop3A_69] {strides = array<i32>} : memref<13312xf32, #tpu.memory_space<vmem>>, vector<16xf32>,
      tpu.vector_store %arg7[%parallel_loop3A_69], %parallel_loop3A_68 {strides = array<i32>} : memref<13312xf32, #tpu.memory_space<vmem>>, vector<16xf32>,
      %parallel_loop3A_71 = arith.constant 64 : i32
      %parallel_loop3A_72 = arith.addi %parallel_loop3A_34, %parallel_loop3A_71 : i32
      %parallel_loop3A_73 = arith.index_cast %parallel_loop3A_72 : i32 to index
      %parallel_loop3A_74 = tpu.vector_load %arg6[%parallel_loop3A_73] {strides = array<i32>} : memref<13312xi32, #tpu.memory_space<vmem>>, vector<16xi32>,
      %parallel_loop3A_75 = arith.addi %parallel_loop3A_74, %get3A_13 : vector<16xi32>
      %parallel_loop3A_76 = tpu.vector_load_idx %arg5[%parallel_loop3A_75] : memref<1872xi32, #tpu.memory_space<vmem>>[vector<16xi32>], vector<16xi32>,
      %parallel_loop3A_77 = vector.bitcast %parallel_loop3A_76 : vector<16xi32> to vector<16xf32>
      %parallel_loop3A_78 = arith.index_cast %parallel_loop3A_72 : i32 to index
      %parallel_loop3A_79 = tpu.vector_load %arg7[%parallel_loop3A_78] {strides = array<i32>} : memref<13312xf32, #tpu.memory_space<vmem>>, vector<16xf32>,
      tpu.vector_store %arg7[%parallel_loop3A_78], %parallel_loop3A_77 {strides = array<i32>} : memref<13312xf32, #tpu.memory_space<vmem>>, vector<16xf32>,
      %parallel_loop3A_80 = arith.constant 80 : i32
      %parallel_loop3A_81 = arith.addi %parallel_loop3A_34, %parallel_loop3A_80 : i32
      %parallel_loop3A_82 = arith.index_cast %parallel_loop3A_81 : i32 to index
      %parallel_loop3A_83 = tpu.vector_load %arg6[%parallel_loop3A_82] {strides = array<i32>} : memref<13312xi32, #tpu.memory_space<vmem>>, vector<16xi32>,
      %parallel_loop3A_84 = arith.addi %parallel_loop3A_83, %get3A_15 : vector<16xi32>
      %parallel_loop3A_85 = tpu.vector_load_idx %arg5[%parallel_loop3A_84] : memref<1872xi32, #tpu.memory_space<vmem>>[vector<16xi32>], vector<16xi32>,
      %parallel_loop3A_86 = vector.bitcast %parallel_loop3A_85 : vector<16xi32> to vector<16xf32>
      %parallel_loop3A_87 = arith.index_cast %parallel_loop3A_81 : i32 to index
      %parallel_loop3A_88 = tpu.vector_load %arg7[%parallel_loop3A_87] {strides = array<i32>} : memref<13312xf32, #tpu.memory_space<vmem>>, vector<16xf32>,
      tpu.vector_store %arg7[%parallel_loop3A_87], %parallel_loop3A_86 {strides = array<i32>} : memref<13312xf32, #tpu.memory_space<vmem>>, vector<16xf32>,
      %parallel_loop3A_89 = arith.constant 96 : i32
      %parallel_loop3A_90 = arith.addi %parallel_loop3A_34, %parallel_loop3A_89 : i32
      %parallel_loop3A_91 = arith.index_cast %parallel_loop3A_90 : i32 to index
      %parallel_loop3A_92 = tpu.vector_load %arg6[%parallel_loop3A_91] {strides = array<i32>} : memref<13312xi32, #tpu.memory_space<vmem>>, vector<16xi32>,
      %parallel_loop3A_93 = arith.addi %parallel_loop3A_92, %get3A_17 : vector<16xi32>
      %parallel_loop3A_94 = tpu.vector_load_idx %arg5[%parallel_loop3A_93] : memref<1872xi32, #tpu.memory_space<vmem>>[vector<16xi32>], vector<16xi32>,
      %parallel_loop3A_95 = vector.bitcast %parallel_loop3A_94 : vector<16xi32> to vector<16xf32>
      %parallel_loop3A_96 = arith.index_cast %parallel_loop3A_90 : i32 to index
      %parallel_loop3A_97 = tpu.vector_load %arg7[%parallel_loop3A_96] {strides = array<i32>} : memref<13312xf32, #tpu.memory_space<vmem>>, vector<16xf32>,
      tpu.vector_store %arg7[%parallel_loop3A_96], %parallel_loop3A_95 {strides = array<i32>} : memref<13312xf32, #tpu.memory_space<vmem>>, vector<16xf32>,
      %parallel_loop3A_98 = arith.constant 112 : i32
      %parallel_loop3A_99 = arith.addi %parallel_loop3A_34, %parallel_loop3A_98 : i32
      %parallel_loop3A_100 = arith.index_cast %parallel_loop3A_99 : i32 to index
      %parallel_loop3A_101 = tpu.vector_load %arg6[%parallel_loop3A_100] {strides = array<i32>} : memref<13312xi32, #tpu.memory_space<vmem>>, vector<16xi32>,
      %parallel_loop3A_102 = arith.addi %parallel_loop3A_101, %get3A_19 : vector<16xi32>
      %parallel_loop3A_103 = tpu.vector_load_idx %arg5[%parallel_loop3A_102] : memref<1872xi32, #tpu.memory_space<vmem>>[vector<16xi32>], vector<16xi32>,
      %parallel_loop3A_104 = vector.bitcast %parallel_loop3A_103 : vector<16xi32> to vector<16xf32>
      %parallel_loop3A_105 = arith.index_cast %parallel_loop3A_99 : i32 to index
      %parallel_loop3A_106 = tpu.vector_load %arg7[%parallel_loop3A_105] {strides = array<i32>} : memref<13312xf32, #tpu.memory_space<vmem>>, vector<16xf32>,
      tpu.vector_store %arg7[%parallel_loop3A_105], %parallel_loop3A_104 {strides = array<i32>} : memref<13312xf32, #tpu.memory_space<vmem>>, vector<16xf32>,
      %parallel_loop3A_107 = arith.constant 128 : i32
      %parallel_loop3A_108 = arith.addi %parallel_loop3A_34, %parallel_loop3A_107 : i32
      %parallel_loop3A_109 = arith.index_cast %parallel_loop3A_108 : i32 to index
      %parallel_loop3A_110 = tpu.vector_load %arg6[%parallel_loop3A_109] {strides = array<i32>} : memref<13312xi32, #tpu.memory_space<vmem>>, vector<16xi32>,
      %parallel_loop3A_111 = arith.addi %parallel_loop3A_110, %get3A_21 : vector<16xi32>
      %parallel_loop3A_112 = tpu.vector_load_idx %arg5[%parallel_loop3A_111] : memref<1872xi32, #tpu.memory_space<vmem>>[vector<16xi32>], vector<16xi32>,
      %parallel_loop3A_113 = vector.bitcast %parallel_loop3A_112 : vector<16xi32> to vector<16xf32>
      %parallel_loop3A_114 = arith.index_cast %parallel_loop3A_108 : i32 to index
      %parallel_loop3A_115 = tpu.vector_load %arg7[%parallel_loop3A_114] {strides = array<i32>} : memref<13312xf32, #tpu.memory_space<vmem>>, vector<16xf32>,
      tpu.vector_store %arg7[%parallel_loop3A_114], %parallel_loop3A_113 {strides = array<i32>} : memref<13312xf32, #tpu.memory_space<vmem>>, vector<16xf32>,
      %parallel_loop3A_116 = arith.constant 144 : i32
      %parallel_loop3A_117 = arith.addi %parallel_loop3A_34, %parallel_loop3A_116 : i32
      %parallel_loop3A_118 = arith.index_cast %parallel_loop3A_117 : i32 to index
      %parallel_loop3A_119 = tpu.vector_load %arg6[%parallel_loop3A_118] {strides = array<i32>} : memref<13312xi32, #tpu.memory_space<vmem>>, vector<16xi32>,
      %parallel_loop3A_120 = arith.addi %parallel_loop3A_119, %get3A_23 : vector<16xi32>
      %parallel_loop3A_121 = tpu.vector_load_idx %arg5[%parallel_loop3A_120] : memref<1872xi32, #tpu.memory_space<vmem>>[vector<16xi32>], vector<16xi32>,
      %parallel_loop3A_122 = vector.bitcast %parallel_loop3A_121 : vector<16xi32> to vector<16xf32>
      %parallel_loop3A_123 = arith.index_cast %parallel_loop3A_117 : i32 to index
      %parallel_loop3A_124 = tpu.vector_load %arg7[%parallel_loop3A_123] {strides = array<i32>} : memref<13312xf32, #tpu.memory_space<vmem>>, vector<16xf32>,
      tpu.vector_store %arg7[%parallel_loop3A_123], %parallel_loop3A_122 {strides = array<i32>} : memref<13312xf32, #tpu.memory_space<vmem>>, vector<16xf32>,
      %parallel_loop3A_125 = arith.constant 160 : i32
      %parallel_loop3A_126 = arith.addi %parallel_loop3A_34, %parallel_loop3A_125 : i32
      %parallel_loop3A_127 = arith.index_cast %parallel_loop3A_126 : i32 to index
      %parallel_loop3A_128 = tpu.vector_load %arg6[%parallel_loop3A_127] {strides = array<i32>} : memref<13312xi32, #tpu.memory_space<vmem>>, vector<16xi32>,
      %parallel_loop3A_129 = arith.addi %parallel_loop3A_128, %get3A_25 : vector<16xi32>
      %parallel_loop3A_130 = tpu.vector_load_idx %arg5[%parallel_loop3A_129] : memref<1872xi32, #tpu.memory_space<vmem>>[vector<16xi32>], vector<16xi32>,
      %parallel_loop3A_131 = vector.bitcast %parallel_loop3A_130 : vector<16xi32> to vector<16xf32>
      %parallel_loop3A_132 = arith.index_cast %parallel_loop3A_126 : i32 to index
      %parallel_loop3A_133 = tpu.vector_load %arg7[%parallel_loop3A_132] {strides = array<i32>} : memref<13312xf32, #tpu.memory_space<vmem>>, vector<16xf32>,
      tpu.vector_store %arg7[%parallel_loop3A_132], %parallel_loop3A_131 {strides = array<i32>} : memref<13312xf32, #tpu.memory_space<vmem>>, vector<16xf32>,
      %parallel_loop3A_134 = arith.constant 176 : i32
      %parallel_loop3A_135 = arith.addi %parallel_loop3A_34, %parallel_loop3A_134 : i32
      %parallel_loop3A_136 = arith.index_cast %parallel_loop3A_135 : i32 to index
      %parallel_loop3A_137 = tpu.vector_load %arg6[%parallel_loop3A_136] {strides = array<i32>} : memref<13312xi32, #tpu.memory_space<vmem>>, vector<16xi32>,
      %parallel_loop3A_138 = arith.addi %parallel_loop3A_137, %get3A_27 : vector<16xi32>
      %parallel_loop3A_139 = tpu.vector_load_idx %arg5[%parallel_loop3A_138] : memref<1872xi32, #tpu.memory_space<vmem>>[vector<16xi32>], vector<16xi32>,
      %parallel_loop3A_140 = vector.bitcast %parallel_loop3A_139 : vector<16xi32> to vector<16xf32>
      %parallel_loop3A_141 = arith.index_cast %parallel_loop3A_135 : i32 to index
      %parallel_loop3A_142 = tpu.vector_load %arg7[%parallel_loop3A_141] {strides = array<i32>} : memref<13312xf32, #tpu.memory_space<vmem>>, vector<16xf32>,
      tpu.vector_store %arg7[%parallel_loop3A_141], %parallel_loop3A_140 {strides = array<i32>} : memref<13312xf32, #tpu.memory_space<vmem>>, vector<16xf32>,
      %parallel_loop3A_143 = arith.constant 192 : i32
      %parallel_loop3A_144 = arith.addi %parallel_loop3A_34, %parallel_loop3A_143 : i32
      %parallel_loop3A_145 = arith.index_cast %parallel_loop3A_144 : i32 to index
      %parallel_loop3A_146 = tpu.vector_load %arg6[%parallel_loop3A_145] {strides = array<i32>} : memref<13312xi32, #tpu.memory_space<vmem>>, vector<16xi32>,
      %parallel_loop3A_147 = arith.addi %parallel_loop3A_146, %get3A_29 : vector<16xi32>
      %parallel_loop3A_148 = tpu.vector_load_idx %arg5[%parallel_loop3A_147] : memref<1872xi32, #tpu.memory_space<vmem>>[vector<16xi32>], vector<16xi32>,
      %parallel_loop3A_149 = vector.bitcast %parallel_loop3A_148 : vector<16xi32> to vector<16xf32>
      %parallel_loop3A_150 = arith.index_cast %parallel_loop3A_144 : i32 to index
      %parallel_loop3A_151 = tpu.vector_load %arg7[%parallel_loop3A_150] {strides = array<i32>} : memref<13312xf32, #tpu.memory_space<vmem>>, vector<16xf32>,
      tpu.vector_store %arg7[%parallel_loop3A_150], %parallel_loop3A_149 {strides = array<i32>} : memref<13312xf32, #tpu.memory_space<vmem>>, vector<16xf32>,
    } {sc.loop_unroll_factor = 4 : i64, sc.parallel_access}
    "tpu.region"() ({
      %run_scoped3A = tpu.sem_alloc : memref<!tpu.dma_semaphore, #tpu.memory_space<semaphore_mem>>
      %dma_start3A_32 = tpu.memref_slice %arg4[%mul3A_2] : memref<425984xf32, #tpu.memory_space<hbm>> -> memref<13312xf32, #tpu.memory_space<hbm>>
      %dma_start3A_33 = tpu.memref_slice %arg4[%mul3A_2] : memref<425984xf32, #tpu.memory_space<hbm>> -> memref<13312xf32, #tpu.memory_space<hbm>>
      tpu.enqueue_dma source(%arg7 : memref<13312xf32, #tpu.memory_space<vmem>>) target(%dma_start3A_33 : memref<13312xf32, #tpu.memory_space<hbm>>) target_semaphore(%run_scoped3A : memref<!tpu.dma_semaphore, #tpu.memory_space<semaphore_mem>>)
      %dma_wait3A_34 = tpu.memref_slice %arg4[%mul3A_2] : memref<425984xf32, #tpu.memory_space<hbm>> -> memref<13312xf32, #tpu.memory_space<hbm>>
      %dma_wait3A_35 = tpu.memref_slice %arg4[%mul3A_2] : memref<425984xf32, #tpu.memory_space<hbm>> -> memref<13312xf32, #tpu.memory_space<hbm>>
      tpu.wait_dma2 semaphore(%run_scoped3A : memref<!tpu.dma_semaphore, #tpu.memory_space<semaphore_mem>>) src(%arg7 : memref<13312xf32, #tpu.memory_space<vmem>>) dst(%dma_wait3A_35 : memref<13312xf32, #tpu.memory_space<hbm>>)
      tpu.yield
    }) : () -> ()
    return
  }
}

</mosaic_0001>

<sc_bundles>
// kernel: kernel.3.cloned.1.call-start
scs
__scs_entry_jumppad:
0x0: {  	(pc) =	sbr.rel $0x88, $3  }
0x1: {  	(tag) =	ssettag $0x0;
	lr =	simm.s32 $0x1  }
0x2: {  	[smem:$0x3F9F] =	sst lr;
	_ =	strace $0xD0000000  }
0x3: {  	_ = 	snop  }
0x4: {  	_ = 	snop  }
0x5: {  	_ = 	snop  }
0x6: {  	_ = 	snop  }
0x7: {  	_ = 	snop  }
__scs_overlays_trampoline_lowered:
0x8: {  	[smem:$0x3FAE] =	sst s0  }
0x9: {  	[smem:$0x3FAF] =	sst s1  }
0xa: {  	[smem:$0x3FB0] =	sst s2  }
0xb: {  	[smem:$0x3FB1] =	sst s3  }
0xc: {  	[smem:$0x3FB2] =	sst s4  }
0xd: {  	[smem:$0x3FB3] =	sst s5  }
0xe: {  	[smem:$0x3FB4] =	sst s6  }
0xf: {  	[smem:$0x3FB5] =	sst s7  }
0x10: {  	[smem:$0x3FB6] =	sst s8  }
0x11: {  	[smem:$0x3FB7] =	sst s9;
	s0 =	simm.s32 @!p0 $0x0  }
0x12: {  	s1 =	sld [smem:$0x3F9D];
	s0 =	simm.s32 @p0 $0x1  }
0x13: {  	[smem:$0x3FB8] =	sst s0;
	s0 =	simm.s32 @!p1 $0x0  }
0x14: {  	s2 =	sld [smem:$0x3F9C];
	s0 =	simm.s32 @p1 $0x1  }
0x15: {  	[smem:$0x3FB9] =	sst s0;
	s0 =	simm.s32 @!p2 $0x0  }
0x16: {  	s3 =	sld [smem:$0x3FDB];
	s0 =	simm.s32 @p2 $0x1  }
0x17: {  	s4 =	simm.s32 $0x1BF5;
	[smem:$0x3FBB] =	sst s0  }
0x18: {  	s0 =	sld [smem:$0x3F9E];
	_ =	swait.ge [sflag:s4], $0x0  }
0x19: {  	s7 =	sld [smem:$0x3F9F]  }
0x1a: {  	s8 =	sadd.s32 $0xFFFFE003, lr  }
0x1b: {  	s9 =	sadd.s32 $0xFFFFFEF7, lr;
	s5 =	simm.s32 $0xFFFFFFFF;
	p2 =	slt.u32 s8, $0xFFFFF086  }
0x1c: {  	p1 =	slt.u32 s9, $0xF7A;
	s5 =	simm.s32 @!p2 $0x0  }
0x1d: {  	s5 =	simm.s32 @p1 $0x1;
	p0 =	seq.s32 s7, s2  }
0x1e: {  	s7 =	smul.u32 @!p0 $0xF7A, s2;
	p2 =	seq.s32 @!p0 s5, $0x0  }
0x1f: {  	s9 =	smul.u32 $0xF7A, s1;
	s8 =	simm.s32 @!p0 $0x1BF5;
	p2 =	por !p2, p0  }
0x20: {  	[sflag:s8] =	ssyncset.s32 @!p0 $0xFFFFF086;
	s6 =	sadd.s32 @!p0 s3, s7;
	s7 =	simm.s32 @!p0 $0x108  }
0x21: {  	s3 =	sadd.s32 s3, s9;
	s6 =	sadd.s32 @!p0 $0x88, s6;
	s7 =	simm.s32 @p2 $0x1082  }
0x22: {  	[simem:s7], [sflag:s8] =	dma.local @!p0 [hbm:s6], $0xF7A  }
0x23: {  	s9 =	sor.u32 $0xD0000000, s2;
	s6 =	simm.s32 $0x108;
	_ =	swait.ge @!p0 [sflag:s8], $0x0  }
0x24: {  	s3 =	sadd.s32 $0x88, s3;
	s6 =	simm.s32 @!p1 $0x1082;
	[sflag:s4] =	ssyncset.s32 $0xFFFFF086  }
0x25: {  	[simem:s6], [sflag:s4] =	dma.local [hbm:s3], $0xF7A  }
0x26: {  	[smem:$0x3F9F] =	sst s1;
	(tag) =	ssettag s2;
	_ =	strace s9  }
0x27: {  	s1 =	sld [smem:$0x3FAF]  }
0x28: {  	s2 =	sld [smem:$0x3FB0]  }
0x29: {  	s4 =	sld [smem:$0x3FB2]  }
0x2a: {  	p0 =	seq.s32 s5, $0x0;
	s5 =	sld [smem:$0x3FB3]  }
0x2b: {  	s6 =	sld [smem:$0x3FB4]  }
0x2c: {  	s7 =	sld [smem:$0x3FB5]  }
0x2d: {  	s3 =	simm.s32 $0x108;
	s8 =	sld [smem:$0x3FB6]  }
0x2e: {  	s3 =	simm.s32 @!p0 $0x1082;
	s9 =	sld [smem:$0x3FB7]  }
0x2f: {  	lr =	sadd.s32 s0, s3;
	s0 =	sld [smem:$0x3FAE]  }
0x30: {  	s3 =	sld [smem:$0x3FB1]  }
0x31: {  	[smem:$0x3FBA] =	sst s10  }
0x32: {  	s10 =	sld [smem:$0x3FB8];
	_ =	sdelay $0x3  }
0x33: {  	p0 =	seq.s32 s10, $0x1;
	s10 =	sld [smem:$0x3FBA];
	_ =	sdelay $0x3  }
0x34: {  	[smem:$0x3FBA] =	sst s10  }
0x35: {  	s10 =	sld [smem:$0x3FB9];
	_ =	sdelay $0x3  }
0x36: {  	p1 =	seq.s32 s10, $0x1;
	s10 =	sld [smem:$0x3FBA];
	_ =	sdelay $0x3  }
0x37: {  	[smem:$0x3FBA] =	sst s10  }
0x38: {  	s10 =	sld [smem:$0x3FBB]  }
0x39: {  	_ = 	snop;
	(pc) =	sbr.ind lr, $3  }
0x3a: {  	_ = 	snop  }
0x3b: {  	_ = 	snop  }
0x3c: {  	p2 =	seq.s32 s10, $0x1;
	s10 =	sld [smem:$0x3FBA]  }
0x3d: {  	_ =	shalt  }
0x3e: {  	_ =	shalt  }
0x3f: {  	_ =	shalt  }
0x40: {  	_ =	shalt  }
0x41: {  	_ =	shalt  }
0x42: {  	_ =	shalt  }
0x43: {  	_ =	shalt  }
0x44: {  	_ =	shalt  }
0x45: {  	_ =	shalt  }
0x46: {  	_ =	shalt  }
0x47: {  	_ =	shalt  }
0x48: {  	_ =	shalt  }
0x49: {  	_ =	shalt  }
0x4a: {  	_ =	shalt  }
0x4b: {  	_ =	shalt  }
0x4c: {  	_ =	shalt  }
0x4d: {  	_ =	shalt  }
0x4e: {  	_ =	shalt  }
0x4f: {  	_ =	shalt  }
0x50: {  	_ =	shalt  }
0x51: {  	_ =	shalt  }
0x52: {  	_ =	shalt  }
0x53: {  	_ =	shalt  }
0x54: {  	_ =	shalt  }
0x55: {  	_ =	shalt  }
0x56: {  	_ =	shalt  }
0x57: {  	_ =	shalt  }
0x58: {  	_ =	shalt  }
0x59: {  	_ =	shalt  }
0x5a: {  	_ =	shalt  }
0x5b: {  	_ =	shalt  }
0x5c: {  	_ =	shalt  }
0x5d: {  	_ =	shalt  }
0x5e: {  	_ =	shalt  }
0x5f: {  	_ =	shalt  }
0x60: {  	_ =	shalt  }
0x61: {  	_ =	shalt  }
0x62: {  	_ =	shalt  }
0x63: {  	_ =	shalt  }
0x64: {  	_ =	shalt  }
0x65: {  	_ =	shalt  }
0x66: {  	_ =	shalt  }
0x67: {  	_ =	shalt  }
0x68: {  	_ =	shalt  }
0x69: {  	_ =	shalt  }
0x6a: {  	_ =	shalt  }
0x6b: {  	_ =	shalt  }
0x6c: {  	_ =	shalt  }
0x6d: {  	_ =	shalt  }
0x6e: {  	_ =	shalt  }
0x6f: {  	_ =	shalt  }
0x70: {  	_ =	shalt  }
0x71: {  	_ =	shalt  }
0x72: {  	_ =	shalt  }
0x73: {  	_ =	shalt  }
0x74: {  	_ =	shalt  }
0x75: {  	_ =	shalt  }
0x76: {  	_ =	shalt  }
0x77: {  	_ =	shalt  }
0x78: {  	_ =	shalt  }
0x79: {  	_ =	shalt  }
0x7a: {  	_ =	shalt  }
0x7b: {  	_ =	shalt  }
0x7c: {  	_ =	shalt  }
0x7d: {  	_ =	shalt  }
0x7e: {  	_ =	shalt  }
0x7f: {  	_ =	shalt  }
0x80: {  	_ =	shalt  }
0x81: {  	_ =	shalt  }
0x82: {  	_ =	shalt  }
0x83: {  	_ =	shalt  }
0x84: {  	_ =	shalt  }
0x85: {  	_ =	shalt  }
0x86: {  	_ =	shalt  }
0x87: {  	_ =	shalt  }
.Lfunc_end0:
.L_simem_size_0:
called_computation_lowered:
.L_overlay_start_0:
0x88: {  	s2 =	sld [smem:$0x3FD9]  }
0x89: {  	s3 =	sld [smem:$0x3FFE];
	_ =	sdelay $0x1  }
0x8a: {  	s1 =	srdreg.scid  }
0x8b: {  	s0 =	sand.u32 $0x1, s1  }
0x8c: {  	s17 =	sshll.u32 s0, $0xA;
	s2 =	sadd.s32 s3, s2  }
0x8d: {  	s2 =	sadd.s32 s2, s17  }
0x8e: {  	[smem:$0x3FC6] =	sst s2  }
0x8f: {  	_ = 	snop  }
0x90: {  	s2 =	sld [smem:$0x3FD0];
	(tm) =	ssettm $0x1  }
0x91: {  	s18 =	sld [smem:$0x3FFB];
	_ =	sdelay $0x3  }
0x92: {  	_ =	strace s18  }
0x93: {  	s3 =	sld [smem:$0x3FFC];
	_ =	sdelay $0x3  }
0x94: {  	_ =	strace s3  }
0x95: {  	s3 =	sld [smem:$0x3FFD];
	_ =	sdelay $0x3  }
0x96: {  	_ =	strace s3  }
0x97: {  	_ =	strace $0x8FFFFFFF  }
0x98: {  	s19 =	sld [smem:$0x3FDB];
	_ =	sdelay $0x1  }
0x99: {  	s4 =	simm.s32 $_scs_section_size  }
0x9a: {  	s5 =	simm.s32 $_size__tile_overlayer_lowered;
	s6 =	simm.s32 $_tile_overlayer_lowered  }
0x9b: {  	s22 =	simm.s32 $0x1BFF;
	s21 =	sshll.u32 s6, $0x1;
	s3 =	sadd.s32 s4, s19  }
0x9c: {  	s7 =	simm.s32 $0x0;
	s20 =	sshll.u32 s5, $0x1;
	s5 =	sadd.s32 s21, s3  }
0x9d: {  	[timem:s7], [sflag:s22] =	dma.local [hbm:s5], s20  }
0x9e: {  	_ =	swait.ge [sflag:s22], s20  }
0x9f: {  	s4 =	ssub.s32 $0x0, s20;
	[sflag:s22] =	ssyncset.done $0x0  }
0xa0: {  	[sflag:s22] =	ssyncadd.s32 s4;
	_ =	sdelay $0x1  }
0xa1: {  	s23 =	simm.s32 $0x1B8B  }
0xa2: {  	_ =	swait.ge [sflag:s23], $0x1  }
0xa3: {  	[sflag:s23] =	ssyncset.done $0x0  }
0xa4: {  	s25 =	simm.s32 $0x1B8E;
	s24 =	sld [smem:$0x3FFE];
	[sflag:s23] =	ssyncadd.s32 $0xFFFFFFFF  }
0xa5: {  	s26 =	simm.s32 $execute0_lowered;
	[smem:$0x3FD2] =	sst s25  }
0xa6: {  	s5 =	sshll.u32 s26, $0x1;
	_ =	strace $0x80000046;
	[dreg:$0x1] =	wrdreg $0xFFFFFFFF  }
0xa7: {  	s28 =	simm.s32 $_size_execute0_lowered;
	s3 =	sadd.s32 s3, s5;
	[dreg:$0x0] =	wrdreg $0x0  }
0xa8: {  	s5 =	sshll.u32 s28, $0x1;
	[dreg:$0x2] =	wrdreg s3  }
0xa9: {  	[dreg:$0x3] =	wrdreg s5  }
0xaa: {  	[dreg:$0x4] =	wrdreg $0xC0  }
0xab: {  	_ =	task [dreg:s7], $0x5FFFF  }
0xac: {  	[dreg:$0x1] =	wrdreg $0xFFFFFFFF  }
0xad: {  	[dreg:$0x0] =	wrdreg $0x60  }
0xae: {  	[dreg:$0x2] =	wrdreg s2  }
0xaf: {  	[dreg:$0x3] =	wrdreg s24  }
0xb0: {  	[dreg:$0x4] =	wrdreg $0x9  }
0xb1: {  	_ =	task.clear_ibuf [dreg:s7], $0x5FFFF;
	_ =	strace $0x90000046  }
0xb2: {  	s29 =	simm.s32 $0x9;
	_ =	strace $0x80000048  }
0xb3: {  	_ =	swait.ge [sflag:s29], $0x1  }
0xb4: {  	[sflag:s29] =	ssyncadd.s32 $0xFFFFFFFF  }
0xb5: {  	_ =	strace $0x90000048  }
0xb6: {  	_ =	sfence  }
0xb7: {  	s30 =	sld [smem:$0x0];
	_ =	sdelay $0x2  }
0xb8: {  	s31 =	sshll.u32 s1, $0xD;
	s1 =	sshrl.u32 s1, $0x2  }
0xb9: {  	s3 =	sand.u32 $0x4000, s31;
	s1 =	sadd.s32 s1, s30  }
0xba: {  	s0 =	sor.u32 s3, s0;
	s1 =	sshll.u32 s1, $0x11  }
0xbb: {  	s0 =	sor.u32 s1, s0  }
0xbc: {  	s0 =	sadd.s32 $0x8F2B, s0  }
0xbd: {  	[sflag:s0] =	ssyncadd.remote.s32 $0x1  }
0xbe: {  	_ =	sfence.sel $0xFFFF  }
0xbf: {  	[dreg:$0x0] =	wrdreg $0xFFFFFFFF;
	(pc) =	sbr.abs _section_cstart, $3  }
0xc0: {  	[dreg:$0x1] =	wrdreg $0xFFFFFFFF  }
0xc1: {  	_ =	task.clear_ibuf [dreg:s7], $0x2FFFF;
	_ =	strace $0x9FFFFFFF  }
0xc2: {  	(tm) =	ssettm $0x7FFFFFFF  }
0xc3: {  	_ =	shalt  }
tec
execute0_lowered:
.L_overlay_start_1:
0x0: {  	(tag) =	ssettag $0x1  }
0x1: {  	s4 =	rddreg [dreg:$0x0];
	s1 =	srdreg.scid  }
0x2: {  	s0 =	stileid.u32;
	s5 =	rddreg [dreg:$0x1]  }
0x3: {  	s2 =	simm.s32 $0x0;
	s9 =	simm.s32 $0x3B80;
	s10 =	simm.s32 $0x2  }
0x4: {  	s11 =	simm.s32 $0x0;
	s3 =	sand.u32 $0x1, s1;
	s6 =	sshll.u32 s0, $0x1  }
0x5: {  	s1 =	rddreg [dreg:$0x2];
	s6 =	sor.u32 s3, s6;
	s7 =	ssub.s32 $0x2, s3  }
0x6: {  	[smem:$0x7FF] =	sst s2;
	s6 =	smul.u32 $0x680, s6;
	s8 =	sshrl.u32 s7, $0x1  }
0x7: {  	_ =	strace $0x80000047;
	s3 =	sadd.s32 $0x600, s5;
	s7 =	ssub.s32 s7, s8  }
0x8: {  	s8 =	simm.s32 $0x1;
	s5 =	sadd.s32 s6, s5;
	s4 =	sadd.s32 s4, s6  }
0x9: {  	s6 =	smax.u32 s7, $0x1;
	s7 =	simm.s32 $0x780;
	s5 =	sadd.s32 $0x800, s5  }
.LBB2_1:
0xa: {  	[tilespmem:s2], [sflag:$0x1] =	stream.linear.gather [hbm4b:s3+s2], $0x780, $0x38;
	[tilespmem:$0x6F80] =	vst v63  }
0xb: {  	_ = 	snop  }
0xc: {  	[tilespmem:s7], [sflag:$0x1] =	stream.linear.gather [hbm4b:s4+s2], $0x3400, $0x38;
	[tilespmem:$0x6F80] =	vst v63  }
0xd: {  	_ =	swait.ge [sflag:s8], $0x780  }
0xe: {  	[sflag:s8] =	ssyncset.done $0x0  }
0xf: {  	[sflag:s8] =	ssyncadd.s32 $0xFFFFF880  }
0x10: {  	_ =	swait.ge [sflag:s8], $0x3400  }
0x11: {  	[sflag:s8] =	ssyncset.done $0x0  }
0x12: {  	[sflag:s8] =	ssyncadd.s32 $0xFFFFCC00  }
0x13: {  	v6 =	vld [tilespmem:$0x0]  }
0x14: {  	v7 =	vld [tilespmem:$0x10]  }
0x15: {  	v9 =	vld [tilespmem:$0x20]  }
0x16: {  	v10 =	vld [tilespmem:$0x30]  }
0x17: {  	s13 =	simm.s32 $0x920;
	v11 =	vld [tilespmem:$0x40]  }
0x18: {  	v0 =	vld [tilespmem:s13+$0xD0]  }
0x19: {  	v14 =	vld [tilespmem:s13+$0xFFFFFE60]  }
0x1a: {  	v1 =	vld [tilespmem:s13+$0xFFFFFF30]  }
0x1b: {  	v12 =	vld [tilespmem:$0x50]  }
0x1c: {  	v13 =	vld [tilespmem:s13+$0x0]  }
0x1d: {  	v8 =	vld [tilespmem:$0x60];
	v0 =	vadd.s32 v6, v0  }
0x1e: {  	v5 =	vld [tilespmem:$0x70];
	v14 =	vadd.s32 v6, v14  }
0x1f: {  	v4 =	vld [tilespmem:$0x80];
	v1 =	vadd.s32 v6, v1  }
0x20: {  	v3 =	vld [tilespmem:$0x90]  }
0x21: {  	v2 =	vld [tilespmem:$0xA0];
	v13 =	vadd.s32 v6, v13  }
0x22: {  	v15 =	vld.idx.msk [tilespmem:v0+s2+$0x0], $0xffff  }
0x23: {  	v14 =	vld.idx.msk [tilespmem:v14+s2+$0x0], $0xffff  }
0x24: {  	v16 =	vld.idx.msk [tilespmem:v1+s2+$0x0], $0xffff  }
0x25: {  	v1 =	vld [tilespmem:$0xB0]  }
0x26: {  	s12 =	simm.s32 $0x3D20;
	v13 =	vld.idx.msk [tilespmem:v13+s2+$0x0], $0xffff  }
0x27: {  	s14 =	sand.u32 $0x3FC0, s2;
	v0 =	vld [tilespmem:$0xC0];
	[tilespmem:s12+$0xD0] =	vst v15  }
0x28: {  	[tilespmem:s12+$0xFFFFFE60] =	vst v14;
	v15 =	vld [tilespmem:s14+$0xA00]  }
0x29: {  	[tilespmem:s12+$0xFFFFFF30] =	vst v16;
	v14 =	vld [tilespmem:s13+$0xFFFFFE70]  }
0x2a: {  	v16 =	vld [tilespmem:s13+$0xFFFFFF40]  }
0x2b: {  	[tilespmem:s12+$0x0] =	vst v13  }
0x2c: {  	v13 =	vld [tilespmem:s13+$0x10]  }
0x2d: {  	v15 =	vadd.s32 v7, v15  }
0x2e: {  	v14 =	vadd.s32 v7, v14  }
0x2f: {  	v16 =	vadd.s32 v7, v16;
	_ =	sdelay $0x1  }
0x30: {  	v13 =	vadd.s32 v7, v13  }
0x31: {  	v15 =	vld.idx.msk [tilespmem:v15+s2+$0x0], $0xffff  }
0x32: {  	v14 =	vld.idx.msk [tilespmem:v14+s2+$0x0], $0xffff  }
0x33: {  	v16 =	vld.idx.msk [tilespmem:v16+s2+$0x0], $0xffff;
	_ =	sdelay $0x1  }
0x34: {  	v13 =	vld.idx.msk [tilespmem:v13+s2+$0x0], $0xffff  }
0x35: {  	[tilespmem:s14+$0x3E00] =	vst v15  }
0x36: {  	[tilespmem:s12+$0xFFFFFE70] =	vst v14;
	v15 =	vld [tilespmem:s13+$0xF0]  }
0x37: {  	[tilespmem:s12+$0xFFFFFF40] =	vst v16;
	v14 =	vld [tilespmem:s13+$0xFFFFFE80]  }
0x38: {  	v16 =	vld [tilespmem:s13+$0xFFFFFF50]  }
0x39: {  	[tilespmem:s12+$0x10] =	vst v13  }
0x3a: {  	v13 =	vld [tilespmem:s13+$0x20]  }
0x3b: {  	v15 =	vadd.s32 v9, v15  }
0x3c: {  	v14 =	vadd.s32 v9, v14  }
0x3d: {  	v16 =	vadd.s32 v9, v16;
	_ =	sdelay $0x1  }
0x3e: {  	v13 =	vadd.s32 v9, v13  }
0x3f: {  	v15 =	vld.idx.msk [tilespmem:v15+s2+$0x0], $0xffff  }
0x40: {  	v14 =	vld.idx.msk [tilespmem:v14+s2+$0x0], $0xffff  }
0x41: {  	v16 =	vld.idx.msk [tilespmem:v16+s2+$0x0], $0xffff;
	_ =	sdelay $0x1  }
0x42: {  	v13 =	vld.idx.msk [tilespmem:v13+s2+$0x0], $0xffff  }
0x43: {  	[tilespmem:s12+$0xF0] =	vst v15  }
0x44: {  	[tilespmem:s12+$0xFFFFFE80] =	vst v14;
	v15 =	vld [tilespmem:s13+$0x100]  }
0x45: {  	[tilespmem:s12+$0xFFFFFF50] =	vst v16;
	v14 =	vld [tilespmem:s13+$0xFFFFFE90]  }
0x46: {  	v16 =	vld [tilespmem:s14+$0x880]  }
0x47: {  	[tilespmem:s12+$0x20] =	vst v13  }
0x48: {  	v13 =	vld [tilespmem:s13+$0x30]  }
0x49: {  	v15 =	vadd.s32 v10, v15  }
0x4a: {  	v14 =	vadd.s32 v10, v14  }
0x4b: {  	v16 =	vadd.s32 v10, v16;
	_ =	sdelay $0x1  }
0x4c: {  	v13 =	vadd.s32 v10, v13  }
0x4d: {  	v15 =	vld.idx.msk [tilespmem:v15+s2+$0x0], $0xffff  }
0x4e: {  	v14 =	vld.idx.msk [tilespmem:v14+s2+$0x0], $0xffff  }
0x4f: {  	v16 =	vld.idx.msk [tilespmem:v16+s2+$0x0], $0xffff;
	_ =	sdelay $0x1  }
0x50: {  	v13 =	vld.idx.msk [tilespmem:v13+s2+$0x0], $0xffff  }
0x51: {  	[tilespmem:s12+$0x100] =	vst v15  }
0x52: {  	[tilespmem:s12+$0xFFFFFE90] =	vst v14;
	v15 =	vld [tilespmem:s13+$0x110]  }
0x53: {  	[tilespmem:s14+$0x3C80] =	vst v16;
	v14 =	vld [tilespmem:s13+$0xFFFFFEA0]  }
0x54: {  	v16 =	vld [tilespmem:s13+$0xFFFFFF70]  }
0x55: {  	[tilespmem:s12+$0x30] =	vst v13  }
0x56: {  	v13 =	vld [tilespmem:s13+$0x40]  }
0x57: {  	v15 =	vadd.s32 v11, v15  }
0x58: {  	v14 =	vadd.s32 v11, v14  }
0x59: {  	v16 =	vadd.s32 v11, v16;
	_ =	sdelay $0x1  }
0x5a: {  	v13 =	vadd.s32 v11, v13  }
0x5b: {  	v15 =	vld.idx.msk [tilespmem:v15+s2+$0x0], $0xffff  }
0x5c: {  	v14 =	vld.idx.msk [tilespmem:v14+s2+$0x0], $0xffff  }
0x5d: {  	s15 =	simm.s32 $0xC60;
	v16 =	vld.idx.msk [tilespmem:v16+s2+$0x0], $0xffff  }
0x5e: {  	v18 =	vld [tilespmem:s15+$0xFFFFFF30]  }
0x5f: {  	v13 =	vld.idx.msk [tilespmem:v13+s2+$0x0], $0xffff  }
0x60: {  	[tilespmem:s12+$0x110] =	vst v15  }
0x61: {  	[tilespmem:s12+$0xFFFFFEA0] =	vst v14;
	v15 =	vld [tilespmem:s13+$0x120]  }
0x62: {  	[tilespmem:s12+$0xFFFFFF70] =	vst v16;
	v14 =	vld [tilespmem:s13+$0xFFFFFEB0]  }
0x63: {  	v18 =	vadd.s32 v6, v18;
	v16 =	vld [tilespmem:s13+$0xFFFFFF80]  }
0x64: {  	[tilespmem:s12+$0x40] =	vst v13  }
0x65: {  	v13 =	vld [tilespmem:s13+$0x50]  }
0x66: {  	v15 =	vadd.s32 v12, v15  }
0x67: {  	v14 =	vadd.s32 v12, v14  }
0x68: {  	v18 =	vld.idx.msk [tilespmem:v18+s2+$0x0], $0xffff;
	v16 =	vadd.s32 v12, v16;
	_ =	sdelay $0x1  }
0x69: {  	v19 =	vld [tilespmem:s15+$0x0];
	v13 =	vadd.s32 v12, v13  }
0x6a: {  	v15 =	vld.idx.msk [tilespmem:v15+s2+$0x0], $0xffff  }
0x6b: {  	s17 =	simm.s32 $0x4060;
	v14 =	vld.idx.msk [tilespmem:v14+s2+$0x0], $0xffff  }
0x6c: {  	[tilespmem:s17+$0xFFFFFF30] =	vst v18;
	v16 =	vld.idx.msk [tilespmem:v16+s2+$0x0], $0xffff  }
0x6d: {  	v18 =	vld [tilespmem:s15+$0xFFFFFF40]  }
0x6e: {  	v13 =	vld.idx.msk [tilespmem:v13+s2+$0x0], $0xffff  }
0x6f: {  	v17 =	vld [tilespmem:s15+$0xD0];
	[tilespmem:s12+$0x120] =	vst v15  }
0x70: {  	[tilespmem:s12+$0xFFFFFEB0] =	vst v14;
	v14 =	vld [tilespmem:s15+$0xFFFFFE60]  }
0x71: {  	[tilespmem:s12+$0xFFFFFF80] =	vst v16;
	v15 =	vld [tilespmem:s13+$0x130]  }
0x72: {  	v19 =	vadd.s32 v6, v19;
	v16 =	vld [tilespmem:s13+$0xFFFFFF90]  }
0x73: {  	v18 =	vadd.s32 v7, v18;
	[tilespmem:s12+$0x50] =	vst v13;
	v20 =	vld [tilespmem:s13+$0xFFFFFEC0]  }
0x74: {  	v13 =	vadd.s32 v6, v17;
	v17 =	vld [tilespmem:s14+$0x980]  }
0x75: {  	v14 =	vadd.s32 v6, v14  }
0x76: {  	v15 =	vadd.s32 v8, v15  }
0x77: {  	v19 =	vld.idx.msk [tilespmem:v19+s2+$0x0], $0xffff;
	v16 =	vadd.s32 v8, v16  }
0x78: {  	v18 =	vld.idx.msk [tilespmem:v18+s2+$0x0], $0xffff;
	v20 =	vadd.s32 v8, v20  }
0x79: {  	v13 =	vld.idx.msk [tilespmem:v13+s2+$0x0], $0xffff;
	v17 =	vadd.s32 v8, v17  }
0x7a: {  	v14 =	vld.idx.msk [tilespmem:v14+s2+$0x0], $0xffff  }
0x7b: {  	v15 =	vld.idx.msk [tilespmem:v15+s2+$0x0], $0xffff  }
0x7c: {  	v16 =	vld.idx.msk [tilespmem:v16+s2+$0x0], $0xffff  }
0x7d: {  	s18 =	simm.s32 $0x340;
	[tilespmem:s17+$0x0] =	vst v19;
	v20 =	vld.idx.msk [tilespmem:v20+s2+$0x0], $0xffff  }
0x7e: {  	s16 =	sand.u32 $0x3FC0, s18;
	[tilespmem:s17+$0xD0] =	vst v13;
	v13 =	vld.idx.msk [tilespmem:v17+s2+$0x0], $0xffff  }
0x7f: {  	v17 =	vld [tilespmem:s16+$0xA00];
	[tilespmem:s17+$0xFFFFFE60] =	vst v14  }
0x80: {  	v14 =	vld [tilespmem:s15+$0x10];
	[tilespmem:s12+$0x130] =	vst v15  }
0x81: {  	v15 =	vld [tilespmem:s13+$0x140]  }
0x82: {  	v19 =	vld [tilespmem:s15+$0xFFFFFE70];
	[tilespmem:s12+$0xFFFFFEC0] =	vst v20  }
0x83: {  	[tilespmem:s12+$0xFFFFFF90] =	vst v16;
	v20 =	vld [tilespmem:s13+$0xFFFFFED0]  }
0x84: {  	v16 =	vadd.s32 v7, v17;
	v17 =	vld [tilespmem:s13+$0xFFFFFFA0]  }
0x85: {  	[tilespmem:s14+$0x3D80] =	vst v13;
	v13 =	vadd.s32 v7, v14  }
0x86: {  	[tilespmem:s17+$0xFFFFFF40] =	vst v18;
	v15 =	vadd.s32 v5, v15  }
0x87: {  	v18 =	vld [tilespmem:s15+$0xFFFFFF50];
	v19 =	vadd.s32 v7, v19  }
0x88: {  	v14 =	vld [tilespmem:s13+$0x70];
	v20 =	vadd.s32 v5, v20  }
0x89: {  	v16 =	vld.idx.msk [tilespmem:v16+s2+$0x0], $0xffff;
	v17 =	vadd.s32 v5, v17  }
0x8a: {  	v13 =	vld.idx.msk [tilespmem:v13+s2+$0x0], $0xffff  }
0x8b: {  	v15 =	vld.idx.msk [tilespmem:v15+s2+$0x0], $0xffff  }
0x8c: {  	v19 =	vld.idx.msk [tilespmem:v19+s2+$0x0], $0xffff  }
0x8d: {  	v20 =	vld.idx.msk [tilespmem:v20+s2+$0x0], $0xffff  }
0x8e: {  	[tilespmem:s16+$0x3E00] =	vst v16;
	v16 =	vld.idx.msk [tilespmem:v17+s2+$0x0], $0xffff  }
0x8f: {  	v17 =	vld [tilespmem:s15+$0xF0];
	[tilespmem:s17+$0x10] =	vst v13  }
0x90: {  	v13 =	vadd.s32 v5, v14;
	v14 =	vld [tilespmem:s15+$0x20];
	[tilespmem:s12+$0x140] =	vst v15  }
0x91: {  	v18 =	vadd.s32 v9, v18;
	[tilespmem:s17+$0xFFFFFE70] =	vst v19;
	v15 =	vld [tilespmem:s13+$0x150]  }
0x92: {  	v19 =	vld [tilespmem:s15+$0xFFFFFE80]  }
0x93: {  	[tilespmem:s12+$0xFFFFFED0] =	vst v20  }
0x94: {  	v17 =	vadd.s32 v9, v17;
	v20 =	vld [tilespmem:s14+$0x800]  }
0x95: {  	v14 =	vadd.s32 v9, v14  }
0x96: {  	v18 =	vld.idx.msk [tilespmem:v18+s2+$0x0], $0xffff;
	v15 =	vadd.s32 v4, v15  }
0x97: {  	[tilespmem:s12+$0xFFFFFFA0] =	vst v16;
	v13 =	vld.idx.msk [tilespmem:v13+s2+$0x0], $0xffff;
	v19 =	vadd.s32 v9, v19  }
0x98: {  	v16 =	vld [tilespmem:s13+$0xFFFFFFB0]  }
0x99: {  	v17 =	vld.idx.msk [tilespmem:v17+s2+$0x0], $0xffff;
	v20 =	vadd.s32 v4, v20  }
0x9a: {  	v14 =	vld.idx.msk [tilespmem:v14+s2+$0x0], $0xffff  }
0x9b: {  	v15 =	vld.idx.msk [tilespmem:v15+s2+$0x0], $0xffff  }
0x9c: {  	[tilespmem:s12+$0x70] =	vst v13;
	v13 =	vld.idx.msk [tilespmem:v19+s2+$0x0], $0xffff  }
0x9d: {  	v19 =	vld [tilespmem:s13+$0x80]  }
0x9e: {  	[tilespmem:s17+$0xF0] =	vst v17;
	v17 =	vld.idx.msk [tilespmem:v20+s2+$0x0], $0xffff  }
0x9f: {  	[tilespmem:s17+$0xFFFFFF50] =	vst v18;
	v18 =	vld [tilespmem:s15+$0x100]  }
0xa0: {  	v20 =	vld [tilespmem:s16+$0x880];
	[tilespmem:s12+$0x150] =	vst v15  }
0xa1: {  	v16 =	vadd.s32 v4, v16;
	[tilespmem:s17+$0x20] =	vst v14;
	v15 =	vld [tilespmem:s14+$0xA80]  }
0xa2: {  	[tilespmem:s17+$0xFFFFFE80] =	vst v13;
	v13 =	vld [tilespmem:s15+$0x30]  }
0xa3: {  	v14 =	vadd.s32 v4, v19;
	v19 =	vld [tilespmem:s15+$0xFFFFFE90]  }
0xa4: {  	v18 =	vadd.s32 v10, v18  }
0xa5: {  	[tilespmem:s14+$0x3C00] =	vst v17;
	v17 =	vadd.s32 v10, v20  }
0xa6: {  	v16 =	vld.idx.msk [tilespmem:v16+s2+$0x0], $0xffff;
	v15 =	vadd.s32 v3, v15  }
0xa7: {  	v20 =	vld [tilespmem:s13+$0xFFFFFEF0];
	v13 =	vadd.s32 v10, v13  }
0xa8: {  	v14 =	vld.idx.msk [tilespmem:v14+s2+$0x0], $0xffff;
	v19 =	vadd.s32 v10, v19  }
0xa9: {  	v18 =	vld.idx.msk [tilespmem:v18+s2+$0x0], $0xffff  }
0xaa: {  	v17 =	vld.idx.msk [tilespmem:v17+s2+$0x0], $0xffff  }
0xab: {  	v15 =	vld.idx.msk [tilespmem:v15+s2+$0x0], $0xffff  }
0xac: {  	[tilespmem:s12+$0xFFFFFFB0] =	vst v16;
	v13 =	vld.idx.msk [tilespmem:v13+s2+$0x0], $0xffff  }
0xad: {  	[tilespmem:s12+$0x80] =	vst v14;
	v16 =	vld.idx.msk [tilespmem:v19+s2+$0x0], $0xffff  }
0xae: {  	v19 =	vld [tilespmem:s13+$0xFFFFFFC0];
	[tilespmem:s17+$0x100] =	vst v18  }
0xaf: {  	[tilespmem:s16+$0x3C80] =	vst v17;
	v17 =	vld [tilespmem:s15+$0x110]  }
0xb0: {  	v18 =	vadd.s32 v3, v20;
	v20 =	vld [tilespmem:s15+$0xFFFFFF70];
	[tilespmem:s14+$0x3E80] =	vst v15  }
0xb1: {  	[tilespmem:s17+$0x30] =	vst v13;
	v14 =	vld [tilespmem:s13+$0x170]  }
0xb2: {  	[tilespmem:s17+$0xFFFFFE90] =	vst v16;
	v13 =	vld [tilespmem:s15+$0x40]  }
0xb3: {  	v16 =	vadd.s32 v3, v19;
	v19 =	vld [tilespmem:s15+$0xFFFFFEA0]  }
0xb4: {  	v15 =	vld [tilespmem:s13+$0x90];
	v17 =	vadd.s32 v11, v17  }
0xb5: {  	v20 =	vadd.s32 v11, v20  }
0xb6: {  	v14 =	vadd.s32 v2, v14  }
0xb7: {  	v18 =	vld.idx.msk [tilespmem:v18+s2+$0x0], $0xffff;
	v13 =	vadd.s32 v11, v13  }
0xb8: {  	v16 =	vld.idx.msk [tilespmem:v16+s2+$0x0], $0xffff;
	v19 =	vadd.s32 v11, v19  }
0xb9: {  	v15 =	vadd.s32 v3, v15;
	v17 =	vld.idx.msk [tilespmem:v17+s2+$0x0], $0xffff  }
0xba: {  	v20 =	vld.idx.msk [tilespmem:v20+s2+$0x0], $0xffff  }
0xbb: {  	v14 =	vld.idx.msk [tilespmem:v14+s2+$0x0], $0xffff  }
0xbc: {  	v13 =	vld.idx.msk [tilespmem:v13+s2+$0x0], $0xffff  }
0xbd: {  	[tilespmem:s12+$0xFFFFFEF0] =	vst v18;
	v18 =	vld.idx.msk [tilespmem:v19+s2+$0x0], $0xffff  }
0xbe: {  	[tilespmem:s12+$0xFFFFFFC0] =	vst v16;
	v15 =	vld.idx.msk [tilespmem:v15+s2+$0x0], $0xffff  }
0xbf: {  	v19 =	vld [tilespmem:s13+$0xFFFFFF00];
	[tilespmem:s17+$0x110] =	vst v17  }
0xc0: {  	v16 =	vld [tilespmem:s13+$0xFFFFFFD0];
	[tilespmem:s12+$0x170] =	vst v14  }
0xc1: {  	[tilespmem:s17+$0xFFFFFF70] =	vst v20;
	v14 =	vld [tilespmem:s13+$0x180]  }
0xc2: {  	v17 =	vld [tilespmem:s15+$0x120];
	[tilespmem:s17+$0xFFFFFEA0] =	vst v18  }
0xc3: {  	[tilespmem:s12+$0x90] =	vst v15;
	v15 =	vld [tilespmem:s15+$0xFFFFFEB0]  }
0xc4: {  	v20 =	vld [tilespmem:s15+$0xFFFFFF80];
	[tilespmem:s17+$0x40] =	vst v13;
	v18 =	vadd.s32 v2, v19  }
0xc5: {  	v13 =	vld [tilespmem:s15+$0x50];
	v16 =	vadd.s32 v2, v16  }
0xc6: {  	v19 =	vld [tilespmem:s13+$0xA0];
	v14 =	vadd.s32 v1, v14  }
0xc7: {  	v17 =	vadd.s32 v12, v17  }
0xc8: {  	v15 =	vadd.s32 v12, v15  }
0xc9: {  	v20 =	vadd.s32 v12, v20;
	v18 =	vld.idx.msk [tilespmem:v18+s2+$0x0], $0xffff  }
0xca: {  	v13 =	vadd.s32 v12, v13;
	v22 =	vld.idx.msk [tilespmem:v16+s2+$0x0], $0xffff  }
0xcb: {  	v21 =	vld.idx.msk [tilespmem:v14+s2+$0x0], $0xffff;
	v14 =	vadd.s32 v2, v19  }
0xcc: {  	v17 =	vld.idx.msk [tilespmem:v17+s2+$0x0], $0xffff  }
0xcd: {  	v16 =	vld.idx.msk [tilespmem:v15+s2+$0x0], $0xffff  }
0xce: {  	v19 =	vld.idx.msk [tilespmem:v20+s2+$0x0], $0xffff  }
0xcf: {  	[tilespmem:s12+$0xFFFFFF00] =	vst v18;
	v20 =	vld.idx.msk [tilespmem:v13+s2+$0x0], $0xffff  }
0xd0: {  	v14 =	vld.idx.msk [tilespmem:v14+s2+$0x0], $0xffff;
	[tilespmem:s12+$0x180] =	vst v21  }
0xd1: {  	[tilespmem:s12+$0xFFFFFFD0] =	vst v22;
	v13 =	vld [tilespmem:s13+$0x190]  }
0xd2: {  	[tilespmem:s17+$0x120] =	vst v17;
	v15 =	vld [tilespmem:s13+$0xFFFFFF10]  }
0xd3: {  	v18 =	vld [tilespmem:s15+$0x130];
	[tilespmem:s17+$0xFFFFFF80] =	vst v19  }
0xd4: {  	s20 =	simm.s32 $0x4;
	s21 =	simm.s32 $0xFA0;
	s19 =	simm.s32 $0x4060;
	[tilespmem:s17+$0x50] =	vst v20;
	v17 =	vld [tilespmem:s15+$0xFFFFFF90]  }
.LBB2_2:
0xd5: {  	v19 =	vld [tilespmem:s21+$0xD0];
	s20 =	sadd.s32 $0x4, s20;
	[tilespmem:s17+$0xFFFFFEB0] =	vst v16  }
0xd6: {  	v16 =	vld [tilespmem:s21+$0xFFFFFF30];
	p0 =	slt.u32 s20, $0x3C;
	[tilespmem:s12+$0xA0] =	vst v14;
	v13 =	vadd.s32 v0, v13  }
0xd7: {  	v14 =	vld [tilespmem:s21+$0x0];
	v15 =	vadd.s32 v1, v15  }
0xd8: {  	v20 =	vld [tilespmem:s21+$0xFFFFFE60];
	v18 =	vadd.s32 v8, v18  }
0xd9: {  	v21 =	vld [tilespmem:s15+$0xFFFFFEC0];
	v17 =	vadd.s32 v8, v17  }
0xda: {  	v19 =	vadd.s32 v6, v19;
	v22 =	vld [tilespmem:s16+$0x980]  }
0xdb: {  	v16 =	vadd.s32 v6, v16;
	v13 =	vld.idx.msk [tilespmem:v13+s2+$0x0], $0xffff  }
0xdc: {  	v14 =	vadd.s32 v6, v14;
	v23 =	vld [tilespmem:s14+$0x900]  }
0xdd: {  	v20 =	vadd.s32 v6, v20;
	v18 =	vld.idx.msk [tilespmem:v18+s2+$0x0], $0xffff  }
0xde: {  	v21 =	vadd.s32 v8, v21;
	v17 =	vld.idx.msk [tilespmem:v17+s2+$0x0], $0xffff  }
0xdf: {  	v19 =	vld.idx.msk [tilespmem:v19+s2+$0x0], $0xffff;
	v22 =	vadd.s32 v8, v22  }
0xe0: {  	v16 =	vld.idx.msk [tilespmem:v16+s2+$0x0], $0xffff  }
0xe1: {  	v14 =	vld.idx.msk [tilespmem:v14+s2+$0x0], $0xffff;
	v23 =	vadd.s32 v1, v23;
	[tilespmem:s12+$0x190] =	vst v13  }
0xe2: {  	v13 =	vld.idx.msk [tilespmem:v20+s2+$0x0], $0xffff  }
0xe3: {  	v20 =	vld.idx.msk [tilespmem:v21+s2+$0x0], $0xffff;
	[tilespmem:s17+$0x130] =	vst v18  }
0xe4: {  	s18 =	sadd.s32 $0x340, s18;
	s17 =	sadd.s32 $0x340, s17;
	[tilespmem:s19+$0xFFFFFF90] =	vst v17;
	v17 =	vld [tilespmem:s15+$0x140]  }
0xe5: {  	s22 =	sand.u32 $0x3FC0, s18;
	[tilespmem:s17+$0xD0] =	vst v19;
	v18 =	vld.idx.msk [tilespmem:v22+s2+$0x0], $0xffff  }
0xe6: {  	[tilespmem:s17+$0xFFFFFF30] =	vst v16;
	v16 =	vld [tilespmem:s22+$0xA00]  }
0xe7: {  	v19 =	vld [tilespmem:s21+$0xFFFFFF40];
	[tilespmem:s17+$0x0] =	vst v14  }
0xe8: {  	[tilespmem:s17+$0xFFFFFE60] =	vst v13;
	v13 =	vld [tilespmem:s21+$0x10]  }
0xe9: {  	v14 =	vld [tilespmem:s21+$0xFFFFFE70];
	[tilespmem:s19+$0xFFFFFEC0] =	vst v20;
	v17 =	vadd.s32 v5, v17  }
0xea: {  	v20 =	vld [tilespmem:s15+$0xFFFFFED0]  }
0xeb: {  	v16 =	vadd.s32 v7, v16;
	v21 =	vld [tilespmem:s15+$0xFFFFFFA0];
	[tilespmem:s16+$0x3D80] =	vst v18  }
0xec: {  	v18 =	vadd.s32 v7, v19;
	v19 =	vld [tilespmem:s15+$0x70]  }
0xed: {  	v13 =	vadd.s32 v7, v13;
	v22 =	vld [tilespmem:s13+$0xB0]  }
0xee: {  	v14 =	vadd.s32 v7, v14;
	v17 =	vld.idx.msk [tilespmem:v17+s2+$0x0], $0xffff  }
0xef: {  	v20 =	vadd.s32 v5, v20;
	v15 =	vld.idx.msk [tilespmem:v15+s2+$0x0], $0xffff  }
0xf0: {  	v16 =	vld.idx.msk [tilespmem:v16+s2+$0x0], $0xffff;
	v21 =	vadd.s32 v5, v21  }
0xf1: {  	v18 =	vld.idx.msk [tilespmem:v18+s2+$0x0], $0xffff;
	v19 =	vadd.s32 v5, v19  }
0xf2: {  	v13 =	vld.idx.msk [tilespmem:v13+s2+$0x0], $0xffff;
	v22 =	vadd.s32 v1, v22  }
0xf3: {  	v14 =	vld.idx.msk [tilespmem:v14+s2+$0x0], $0xffff  }
0xf4: {  	v20 =	vld.idx.msk [tilespmem:v20+s2+$0x0], $0xffff;
	[tilespmem:s19+$0x140] =	vst v17  }
0xf5: {  	v17 =	vld [tilespmem:s15+$0x150];
	[tilespmem:s12+$0xFFFFFF10] =	vst v15  }
0xf6: {  	[tilespmem:s22+$0x3E00] =	vst v16;
	v15 =	vld.idx.msk [tilespmem:v21+s2+$0x0], $0xffff  }
0xf7: {  	[tilespmem:s17+$0xFFFFFF40] =	vst v18;
	v16 =	vld [tilespmem:s21+$0xF0]  }
0xf8: {  	v18 =	vld [tilespmem:s21+$0xFFFFFF50];
	[tilespmem:s17+$0x10] =	vst v13  }
0xf9: {  	[tilespmem:s17+$0xFFFFFE70] =	vst v14;
	v13 =	vld [tilespmem:s21+$0x20]  }
0xfa: {  	v14 =	vld [tilespmem:s21+$0xFFFFFE80];
	[tilespmem:s19+$0xFFFFFED0] =	vst v20;
	v17 =	vadd.s32 v4, v17  }
0xfb: {  	v19 =	vld.idx.msk [tilespmem:v19+s2+$0x0], $0xffff  }
0xfc: {  	v16 =	vadd.s32 v9, v16;
	v20 =	vld [tilespmem:s16+$0x800];
	[tilespmem:s19+$0xFFFFFFA0] =	vst v15  }
0xfd: {  	v15 =	vadd.s32 v9, v18;
	v18 =	vld [tilespmem:s15+$0xFFFFFFB0]  }
0xfe: {  	v13 =	vadd.s32 v9, v13;
	v21 =	vld.idx.msk [tilespmem:v23+s2+$0x0], $0xffff  }
0xff: {  	v14 =	vadd.s32 v9, v14;
	v17 =	vld.idx.msk [tilespmem:v17+s2+$0x0], $0xffff  }
0x100: {  	v22 =	vld.idx.msk [tilespmem:v22+s2+$0x0], $0xffff  }
0x101: {  	v16 =	vld.idx.msk [tilespmem:v16+s2+$0x0], $0xffff;
	v20 =	vadd.s32 v4, v20;
	[tilespmem:s19+$0x70] =	vst v19  }
0x102: {  	v15 =	vld.idx.msk [tilespmem:v15+s2+$0x0], $0xffff;
	v18 =	vadd.s32 v4, v18  }
0x103: {  	v13 =	vld.idx.msk [tilespmem:v13+s2+$0x0], $0xffff  }
0x104: {  	v14 =	vld.idx.msk [tilespmem:v14+s2+$0x0], $0xffff;
	[tilespmem:s14+$0x3D00] =	vst v21;
	s14 =	smov.u32 s16;
	s16 =	smov.u32 s22  }
0x105: {  	v19 =	vld [tilespmem:s15+$0x80];
	[tilespmem:s19+$0x150] =	vst v17  }
0x106: {  	v17 =	vld [tilespmem:s14+$0xA80];
	[tilespmem:s12+$0xB0] =	vst v22  }
0x107: {  	[tilespmem:s17+$0xF0] =	vst v16;
	v16 =	vld.idx.msk [tilespmem:v20+s2+$0x0], $0xffff  }
0x108: {  	[tilespmem:s17+$0xFFFFFF50] =	vst v15;
	v15 =	vld [tilespmem:s21+$0x100]  }
0x109: {  	v20 =	vld [tilespmem:s16+$0x880];
	[tilespmem:s17+$0x20] =	vst v13  }
0x10a: {  	[tilespmem:s17+$0xFFFFFE80] =	vst v14;
	v13 =	vld [tilespmem:s21+$0x30];
	v14 =	vadd.s32 v4, v19  }
0x10b: {  	v19 =	vld [tilespmem:s21+$0xFFFFFE90];
	v17 =	vadd.s32 v3, v17  }
0x10c: {  	v18 =	vld.idx.msk [tilespmem:v18+s2+$0x0], $0xffff  }
0x10d: {  	v15 =	vadd.s32 v10, v15;
	[tilespmem:s14+$0x3C00] =	vst v16;
	v16 =	vld [tilespmem:s13+$0xFFFFFF20]  }
0x10e: {  	v20 =	vadd.s32 v10, v20;
	v21 =	vld [tilespmem:s15+$0xFFFFFEF0]  }
0x10f: {  	v13 =	vadd.s32 v10, v13;
	v14 =	vld.idx.msk [tilespmem:v14+s2+$0x0], $0xffff  }
0x110: {  	v19 =	vadd.s32 v10, v19;
	v17 =	vld.idx.msk [tilespmem:v17+s2+$0x0], $0xffff  }
0x111: {  	v22 =	vld [tilespmem:s13+$0xFFFFFFF0]  }
0x112: {  	v15 =	vld.idx.msk [tilespmem:v15+s2+$0x0], $0xffff;
	[tilespmem:s19+$0xFFFFFFB0] =	vst v18;
	v16 =	vadd.s32 v0, v16  }
0x113: {  	v18 =	vld.idx.msk [tilespmem:v20+s2+$0x0], $0xffff;
	v20 =	vadd.s32 v3, v21  }
0x114: {  	v13 =	vld.idx.msk [tilespmem:v13+s2+$0x0], $0xffff  }
0x115: {  	v19 =	vld.idx.msk [tilespmem:v19+s2+$0x0], $0xffff;
	[tilespmem:s19+$0x80] =	vst v14  }
0x116: {  	v14 =	vld [tilespmem:s15+$0xFFFFFFC0];
	[tilespmem:s14+$0x3E80] =	vst v17;
	v17 =	vadd.s32 v0, v22  }
0x117: {  	v21 =	vld [tilespmem:s15+$0x170]  }
0x118: {  	[tilespmem:s17+$0x100] =	vst v15;
	v15 =	vld [tilespmem:s15+$0x90]  }
0x119: {  	[tilespmem:s16+$0x3C80] =	vst v18;
	v18 =	vld [tilespmem:s21+$0x110]  }
0x11a: {  	v22 =	vld [tilespmem:s21+$0xFFFFFF70];
	[tilespmem:s17+$0x30] =	vst v13  }
0x11b: {  	[tilespmem:s17+$0xFFFFFE90] =	vst v19;
	v13 =	vld [tilespmem:s21+$0x40];
	v14 =	vadd.s32 v3, v14  }
0x11c: {  	v19 =	vld [tilespmem:s21+$0xFFFFFEA0];
	v21 =	vadd.s32 v2, v21  }
0x11d: {  	v20 =	vld.idx.msk [tilespmem:v20+s2+$0x0], $0xffff;
	v15 =	vadd.s32 v3, v15  }
0x11e: {  	v18 =	vadd.s32 v11, v18;
	v23 =	vld [tilespmem:s13+$0xC0];
	s13 =	smov.u32 s15;
	s15 =	smov.u32 s21  }
0x11f: {  	v22 =	vadd.s32 v11, v22;
	v16 =	vld.idx.msk [tilespmem:v16+s2+$0x0], $0xffff  }
0x120: {  	v13 =	vadd.s32 v11, v13;
	v14 =	vld.idx.msk [tilespmem:v14+s2+$0x0], $0xffff  }
0x121: {  	v19 =	vadd.s32 v11, v19;
	v21 =	vld.idx.msk [tilespmem:v21+s2+$0x0], $0xffff  }
0x122: {  	v15 =	vld.idx.msk [tilespmem:v15+s2+$0x0], $0xffff  }
0x123: {  	v18 =	vld.idx.msk [tilespmem:v18+s2+$0x0], $0xffff;
	[tilespmem:s19+$0xFFFFFEF0] =	vst v20;
	v20 =	vadd.s32 v0, v23  }
0x124: {  	v22 =	vld.idx.msk [tilespmem:v22+s2+$0x0], $0xffff  }
0x125: {  	v13 =	vld.idx.msk [tilespmem:v13+s2+$0x0], $0xffff;
	[tilespmem:s12+$0xFFFFFF20] =	vst v16  }
0x126: {  	v16 =	vld.idx.msk [tilespmem:v19+s2+$0x0], $0xffff;
	[tilespmem:s19+$0xFFFFFFC0] =	vst v14  }
0x127: {  	v14 =	vld [tilespmem:s13+$0xFFFFFF00];
	[tilespmem:s19+$0x170] =	vst v21  }
0x128: {  	[tilespmem:s19+$0x90] =	vst v15;
	v15 =	vld [tilespmem:s13+$0x180]  }
0x129: {  	[tilespmem:s17+$0x110] =	vst v18;
	v18 =	vld [tilespmem:s13+$0xFFFFFFD0]  }
0x12a: {  	[tilespmem:s17+$0xFFFFFF70] =	vst v22;
	v19 =	vld [tilespmem:s21+$0x120]  }
0x12b: {  	v21 =	vld [tilespmem:s21+$0xFFFFFF80];
	[tilespmem:s17+$0x40] =	vst v13  }
0x12c: {  	[tilespmem:s17+$0xFFFFFEA0] =	vst v16;
	v13 =	vld [tilespmem:s21+$0x50];
	v14 =	vadd.s32 v2, v14  }
0x12d: {  	v16 =	vld [tilespmem:s21+$0xFFFFFEB0];
	v15 =	vadd.s32 v1, v15  }
0x12e: {  	v18 =	vadd.s32 v2, v18;
	v22 =	vld [tilespmem:s13+$0xA0]  }
0x12f: {  	v19 =	vadd.s32 v12, v19;
	v17 =	vld.idx.msk [tilespmem:v17+s2+$0x0], $0xffff  }
0x130: {  	v21 =	vadd.s32 v12, v21;
	v20 =	vld.idx.msk [tilespmem:v20+s2+$0x0], $0xffff  }
0x131: {  	v13 =	vadd.s32 v12, v13;
	v14 =	vld.idx.msk [tilespmem:v14+s2+$0x0], $0xffff  }
0x132: {  	v16 =	vadd.s32 v12, v16;
	v15 =	vld.idx.msk [tilespmem:v15+s2+$0x0], $0xffff  }
0x133: {  	v18 =	vld.idx.msk [tilespmem:v18+s2+$0x0], $0xffff;
	v22 =	vadd.s32 v2, v22  }
0x134: {  	v19 =	vld.idx.msk [tilespmem:v19+s2+$0x0], $0xffff  }
0x135: {  	v21 =	vld.idx.msk [tilespmem:v21+s2+$0x0], $0xffff;
	[tilespmem:s12+$0xFFFFFFF0] =	vst v17  }
0x136: {  	v23 =	vld.idx.msk [tilespmem:v13+s2+$0x0], $0xffff;
	[tilespmem:s12+$0xC0] =	vst v20;
	s12 =	smov.u32 s19;
	s19 =	smov.u32 s17  }
0x137: {  	v16 =	vld.idx.msk [tilespmem:v16+s2+$0x0], $0xffff;
	[tilespmem:s12+$0xFFFFFF00] =	vst v14  }
.Ltmp0:
0x138: {  	v14 =	vld.idx.msk [tilespmem:v22+s2+$0x0], $0xffff;
	[tilespmem:s12+$0x180] =	vst v15;
	(pc) =	sbr.rel @p0 .LBB2_2-.Ltmp0, $4  }
0x139: {  	[tilespmem:s12+$0xFFFFFFD0] =	vst v18;
	v13 =	vld [tilespmem:s13+$0x190]  }
0x13a: {  	[tilespmem:s17+$0x120] =	vst v19;
	v15 =	vld [tilespmem:s13+$0xFFFFFF10]  }
0x13b: {  	[tilespmem:s17+$0xFFFFFF80] =	vst v21;
	v18 =	vld [tilespmem:s21+$0x130]  }
0x13c: {  	s21 =	sadd.s32 $0x340, s21;
	v17 =	vld [tilespmem:s15+$0xFFFFFF90];
	[tilespmem:s17+$0x50] =	vst v23  }
0x13d: {  	[tilespmem:s17+$0xFFFFFEB0] =	vst v16;
	v7 =	vld [tilespmem:s16+$0x980]  }
0x13e: {  	v6 =	vld [tilespmem:s15+$0xFFFFFEC0];
	_ =	sdelay $0x1  }
0x13f: {  	v9 =	vadd.s32 v8, v18  }
0x140: {  	v10 =	vadd.s32 v8, v17  }
0x141: {  	v7 =	vadd.s32 v8, v7  }
0x142: {  	v6 =	vadd.s32 v8, v6;
	_ =	sdelay $0x1  }
0x143: {  	v35 =	vld.idx.msk [tilespmem:v9+s2+$0x0], $0xffff  }
0x144: {  	v36 =	vld.idx.msk [tilespmem:v10+s2+$0x0], $0xffff  }
0x145: {  	v7 =	vld.idx.msk [tilespmem:v7+s2+$0x0], $0xffff  }
0x146: {  	v6 =	vld.idx.msk [tilespmem:v6+s2+$0x0], $0xffff;
	_ =	sdelay $0x1  }
0x147: {  	[tilespmem:s17+$0x130] =	vst v35  }
0x148: {  	v8 =	vld [tilespmem:s15+$0x140];
	[tilespmem:s19+$0xFFFFFF90] =	vst v36  }
0x149: {  	v9 =	vld [tilespmem:s15+$0xFFFFFFA0];
	[tilespmem:s16+$0x3D80] =	vst v7  }
0x14a: {  	[tilespmem:s19+$0xFFFFFEC0] =	vst v6;
	v7 =	vld [tilespmem:s15+$0x70]  }
0x14b: {  	v6 =	vld [tilespmem:s15+$0xFFFFFED0];
	_ =	sdelay $0x1  }
0x14c: {  	v8 =	vadd.s32 v5, v8  }
0x14d: {  	v9 =	vadd.s32 v5, v9  }
0x14e: {  	v37 =	vadd.s32 v5, v7  }
0x14f: {  	v6 =	vadd.s32 v5, v6;
	_ =	sdelay $0x1  }
0x150: {  	v38 =	vld.idx.msk [tilespmem:v8+s2+$0x0], $0xffff  }
0x151: {  	v39 =	vld.idx.msk [tilespmem:v9+s2+$0x0], $0xffff  }
0x152: {  	v5 =	vld.idx.msk [tilespmem:v37+s2+$0x0], $0xffff  }
0x153: {  	v6 =	vld.idx.msk [tilespmem:v6+s2+$0x0], $0xffff;
	_ =	sdelay $0x1  }
0x154: {  	[tilespmem:s19+$0x140] =	vst v38  }
0x155: {  	v7 =	vld [tilespmem:s15+$0x150];
	[tilespmem:s19+$0xFFFFFFA0] =	vst v39  }
0x156: {  	v8 =	vld [tilespmem:s15+$0xFFFFFFB0];
	[tilespmem:s19+$0x70] =	vst v5  }
0x157: {  	[tilespmem:s19+$0xFFFFFED0] =	vst v6;
	v5 =	vld [tilespmem:s15+$0x80]  }
0x158: {  	v6 =	vld [tilespmem:s16+$0x800];
	_ =	sdelay $0x1  }
0x159: {  	v7 =	vadd.s32 v4, v7  }
0x15a: {  	v8 =	vadd.s32 v4, v8  }
0x15b: {  	v40 =	vadd.s32 v4, v5  }
0x15c: {  	v6 =	vadd.s32 v4, v6;
	_ =	sdelay $0x1  }
0x15d: {  	v41 =	vld.idx.msk [tilespmem:v7+s2+$0x0], $0xffff  }
0x15e: {  	v42 =	vld.idx.msk [tilespmem:v8+s2+$0x0], $0xffff  }
0x15f: {  	v4 =	vld.idx.msk [tilespmem:v40+s2+$0x0], $0xffff  }
0x160: {  	v6 =	vld.idx.msk [tilespmem:v6+s2+$0x0], $0xffff;
	_ =	sdelay $0x1  }
0x161: {  	[tilespmem:s19+$0x150] =	vst v41  }
0x162: {  	v5 =	vld [tilespmem:s16+$0xA80];
	[tilespmem:s19+$0xFFFFFFB0] =	vst v42  }
0x163: {  	[tilespmem:s19+$0x80] =	vst v4;
	v43 =	vld [tilespmem:s15+$0xFFFFFFC0]  }
0x164: {  	[tilespmem:s16+$0x3C00] =	vst v6;
	v44 =	vld [tilespmem:s15+$0x90]  }
0x165: {  	v6 =	vld [tilespmem:s15+$0xFFFFFEF0];
	_ =	sdelay $0x1  }
0x166: {  	v5 =	vadd.s32 v3, v5  }
0x167: {  	v4 =	vadd.s32 v3, v43  }
0x168: {  	v45 =	vadd.s32 v3, v44  }
0x169: {  	v6 =	vadd.s32 v3, v6;
	_ =	sdelay $0x1  }
0x16a: {  	v5 =	vld.idx.msk [tilespmem:v5+s2+$0x0], $0xffff  }
0x16b: {  	v4 =	vld.idx.msk [tilespmem:v4+s2+$0x0], $0xffff  }
0x16c: {  	v3 =	vld.idx.msk [tilespmem:v45+s2+$0x0], $0xffff  }
0x16d: {  	v6 =	vld.idx.msk [tilespmem:v6+s2+$0x0], $0xffff;
	_ =	sdelay $0x1  }
0x16e: {  	[tilespmem:s16+$0x3E80] =	vst v5  }
0x16f: {  	v5 =	vld [tilespmem:s15+$0x170];
	[tilespmem:s19+$0xFFFFFFC0] =	vst v4  }
0x170: {  	[tilespmem:s19+$0x90] =	vst v3;
	v47 =	vld [tilespmem:s15+$0xFFFFFFD0]  }
0x171: {  	[tilespmem:s19+$0xFFFFFEF0] =	vst v6;
	v48 =	vld [tilespmem:s15+$0xA0]  }
0x172: {  	v46 =	vld [tilespmem:s15+$0xFFFFFF00]  }
0x173: {  	[tilespmem:s12+$0xA0] =	vst v14  }
0x174: {  	v52 =	vld [tilespmem:s13+$0xB0];
	v5 =	vadd.s32 v2, v5  }
0x175: {  	v3 =	vadd.s32 v2, v47  }
0x176: {  	v49 =	vadd.s32 v2, v48  }
0x177: {  	v4 =	vadd.s32 v2, v46  }
0x178: {  	v50 =	vld [tilespmem:s14+$0x900];
	v51 =	vadd.s32 v1, v15  }
0x179: {  	v56 =	vadd.s32 v1, v52;
	v5 =	vld.idx.msk [tilespmem:v5+s2+$0x0], $0xffff  }
0x17a: {  	v3 =	vld.idx.msk [tilespmem:v3+s2+$0x0], $0xffff  }
0x17b: {  	v2 =	vld.idx.msk [tilespmem:v49+s2+$0x0], $0xffff  }
0x17c: {  	v4 =	vld.idx.msk [tilespmem:v4+s2+$0x0], $0xffff  }
0x17d: {  	v7 =	vld.idx.msk [tilespmem:v51+s2+$0x0], $0xffff  }
0x17e: {  	v6 =	vld.idx.msk [tilespmem:v56+s2+$0x0], $0xffff;
	[tilespmem:s19+$0x170] =	vst v5  }
0x17f: {  	v5 =	vld [tilespmem:s15+$0x180];
	[tilespmem:s19+$0xFFFFFFD0] =	vst v3  }
0x180: {  	[tilespmem:s19+$0xA0] =	vst v2;
	v55 =	vld [tilespmem:s16+$0x900]  }
0x181: {  	[tilespmem:s19+$0xFFFFFF00] =	vst v4;
	v57 =	vld [tilespmem:s15+$0xB0]  }
0x182: {  	v53 =	vld [tilespmem:s15+$0xFFFFFF10]  }
0x183: {  	v54 =	vadd.s32 v1, v50  }
0x184: {  	v5 =	vadd.s32 v1, v5  }
0x185: {  	[tilespmem:s12+$0xFFFFFF10] =	vst v7;
	v2 =	vadd.s32 v1, v55  }
0x186: {  	v7 =	vld [tilespmem:s13+$0xFFFFFF20];
	[tilespmem:s12+$0xB0] =	vst v6;
	v58 =	vadd.s32 v1, v57  }
0x187: {  	v6 =	vld [tilespmem:s13+$0xC0];
	v3 =	vadd.s32 v1, v53  }
0x188: {  	v4 =	vld.idx.msk [tilespmem:v54+s2+$0x0], $0xffff  }
0x189: {  	v5 =	vld.idx.msk [tilespmem:v5+s2+$0x0], $0xffff  }
0x18a: {  	v2 =	vld.idx.msk [tilespmem:v2+s2+$0x0], $0xffff  }
0x18b: {  	v1 =	vld.idx.msk [tilespmem:v58+s2+$0x0], $0xffff  }
0x18c: {  	v3 =	vld.idx.msk [tilespmem:v3+s2+$0x0], $0xffff  }
0x18d: {  	[tilespmem:s14+$0x3D00] =	vst v4  }
0x18e: {  	v4 =	vld [tilespmem:s13+$0xFFFFFFF0];
	[tilespmem:s19+$0x180] =	vst v5  }
0x18f: {  	v5 =	vld [tilespmem:s15+$0x190];
	[tilespmem:s16+$0x3D00] =	vst v2  }
0x190: {  	v7 =	vadd.s32 v0, v7;
	[tilespmem:s19+$0xB0] =	vst v1;
	v61 =	vld [tilespmem:s15+$0xFFFFFFF0]  }
0x191: {  	v6 =	vadd.s32 v0, v6;
	[tilespmem:s19+$0xFFFFFF10] =	vst v3;
	v62 =	vld [tilespmem:s15+$0xC0]  }
0x192: {  	v59 =	vadd.s32 v0, v13;
	v60 =	vld [tilespmem:s15+$0xFFFFFF20]  }
0x193: {  	v4 =	vadd.s32 v0, v4  }
0x194: {  	v5 =	vadd.s32 v0, v5  }
0x195: {  	v7 =	vld.idx.msk [tilespmem:v7+s2+$0x0], $0xffff;
	v1 =	vadd.s32 v0, v61  }
0x196: {  	v6 =	vld.idx.msk [tilespmem:v6+s2+$0x0], $0xffff;
	v63 =	vadd.s32 v0, v62  }
0x197: {  	v3 =	vld.idx.msk [tilespmem:v59+s2+$0x0], $0xffff;
	v2 =	vadd.s32 v0, v60  }
0x198: {  	v4 =	vld.idx.msk [tilespmem:v4+s2+$0x0], $0xffff  }
0x199: {  	v5 =	vld.idx.msk [tilespmem:v5+s2+$0x0], $0xffff  }
0x19a: {  	[tilespmem:s12+$0xFFFFFF20] =	vst v7;
	v1 =	vld.idx.msk [tilespmem:v1+s2+$0x0], $0xffff  }
0x19b: {  	[tilespmem:s12+$0xC0] =	vst v6;
	v0 =	vld.idx.msk [tilespmem:v63+s2+$0x0], $0xffff  }
0x19c: {  	[tilespmem:s12+$0x190] =	vst v3;
	v2 =	vld.idx.msk [tilespmem:v2+s2+$0x0], $0xffff  }
0x19d: {  	[tilespmem:s12+$0xFFFFFFF0] =	vst v4  }
0x19e: {  	[tilespmem:s19+$0x190] =	vst v5  }
0x19f: {  	s11 =	sadd.s32 $0x1, s11;
	[tilespmem:s19+$0xFFFFFFF0] =	vst v1  }
0x1a0: {  	p0 =	sne.s32 s11, s6;
	[tilespmem:s19+$0xC0] =	vst v0  }
.Ltmp1:
0x1a1: {  	[tilespmem:s19+$0xFFFFFF20] =	vst v2;
	(pc) =	sbr.rel @p0 .LBB2_1-.Ltmp1, $4  }
0x1a2: {  	[hbm4b:s5+s2] =	stream.linear.scatter [tilespmem:s9], [sflag:$0x2], $0x3400, $0x38;
	[tilespmem:$0x6F80] =	vst v63  }
0x1a3: {  	_ =	swait.ge [sflag:s10], $0x3400  }
0x1a4: {  	[sflag:s10] =	ssyncset.done $0x0  }
0x1a5: {  	[sflag:s10] =	ssyncadd.s32 $0xFFFFCC00  }
0x1a6: {  	_ =	sfence.sel $0x180000  }
0x1a7: {  	[bflag:$0x0] =	sbarrier.arrive $0xFFFF  }
0x1a8: {  	p0 =	sne.s32 s0, $0x0;
	_ =	strace $0x90000047  }
0x1a9: {  	s0 =	sadd.s32 @!p0 $0x100000, s1;
	[bflag:$0x2] =	sbarrier.arrive $0xFFFF  }
0x1aa: {  	[sflag:s0] =	ssyncadd.tile.s32 @!p0 $0x1;
	_ =	shalt  }
.Lfunc_end2:
_tile_overlayer_lowered:
.L_overlay_start_2:
0x1ab: {  	(tag) =	ssettag $0x2  }
0x1ac: {  	s0 =	rddreg [dreg:$0x0];
	s2 =	stileid.u32  }
0x1ad: {  	s1 =	rddreg [dreg:$0x1];
	p0 =	sne.s32 s2, $0x0  }
0x1ae: {  	s3 =	rddreg [dreg:$0x2];
	[bflag:$0x3] =	sbarrier.arrive $0xFFFF;
	s2 =	simm.s32 @!p0 $0x1C02  }
0x1af: {  	[timem:s3], [sflag:s2] =	dma.local @!p0 [hbm:s0], s1  }
0x1b0: {  	s0 =	simm.s32 @!p0 $0x2  }
0x1b1: {  	_ =	swait.ge @!p0 [sflag:s0], s1  }
0x1b2: {  	s1 =	ssub.s32 @!p0 $0x0, s1;
	[sflag:s0] =	ssyncset.done @!p0 $0x0  }
0x1b3: {  	[sflag:s0] =	ssyncadd.s32 @!p0 s1  }
0x1b4: {  	[bflag:$0x3] =	sbarrier.arrive $0xFFFF  }
0x1b5: {  	_ =	shalt  }

</sc_bundles>
